<compile_context>
chip_gen: v7x
topology: tpu7x:2x2x1
jax: 0.10.2.dev20260603
libtpu: 0.0.44.dev20260713+nightly
codegen_flags: <defaults>
</compile_context>

<pallas_src>
import functools
import math

import jax
import jax.numpy as jnp
from jax import lax
from jax.experimental import pallas as pl
from jax.experimental.pallas import tpu as pltpu
from jax.experimental.pallas import tpu_sc as plsc

E = 320000
D = 128
C = 50000
M = 200000

NSUB = 16
NCORE = 2
CHUNK = 12288
NCHUNK = 28
EPAD = CHUNK * NCHUNK
ROWS_PER_SUB = CHUNK // NSUB
MPAD = 204800
MSG_PER_SUB = MPAD // NSUB
B = 128
ACC_ROWS = CHUNK + 16


def _sc_gather_scatter(bond, cycle, i0, i1, src, dst, zeros_blk):
    mesh = plsc.VectorSubcoreMesh(core_axis_name="c", subcore_axis_name="s")

    @functools.partial(
        pl.kernel,
        mesh=mesh,
        out_type=jax.ShapeDtypeStruct((EPAD, D), jnp.float32),
        scratch_types=[
            pltpu.VMEM((B,), jnp.int32),
            pltpu.VMEM((B,), jnp.int32),
            pltpu.VMEM((B,), jnp.int32),
            pltpu.VMEM((B, D), jnp.float32),
            pltpu.VMEM_SHARED((ACC_ROWS, D), jnp.float32),
            pltpu.SemaphoreType.DMA,
        ],
    )
    def k(bond_h, cycle_h, i0_h, i1_h, src_h, dst_h, zeros_h, out_h,
          ia, ib, li, rows, acc, sem):
        core = lax.axis_index("c")
        s = lax.axis_index("s")

        def chunk_body(j, _):
            kk = j * NCORE + core
            lo = kk * CHUNK

            pltpu.sync_copy(zeros_h, acc.at[pl.ds(s * ROWS_PER_SUB, ROWS_PER_SUB)])
            plsc.subcore_barrier()

            def msg_body(b, _):
                base = s * MSG_PER_SUB + b * B
                pltpu.sync_copy(src_h.at[pl.ds(base, B)], ia)
                pltpu.sync_copy(dst_h.at[pl.ds(base, B)], ib)

                def lane(q, _):
                    d = ib[pl.ds(q * 16, 16)]
                    ok = (d >= lo) & (d < lo + CHUNK)
                    li[pl.ds(q * 16, 16)] = jnp.where(ok, d - lo, CHUNK)
                    return 0
                lax.fori_loop(0, B // 16, lane, 0)

                pltpu.async_copy(cycle_h.at[ia], rows, sem).wait()
                pltpu.sync_copy(rows, acc.at[li], add=True)
                return 0
            lax.fori_loop(0, MSG_PER_SUB // B, msg_body, 0)

            def bond_body(b, _):
                ebase = lo + s * ROWS_PER_SUB + b * B
                pltpu.sync_copy(i0_h.at[pl.ds(ebase, B)], ia)
                pltpu.sync_copy(i1_h.at[pl.ds(ebase, B)], ib)

                def lane2(q, _):
                    li[pl.ds(q * 16, 16)] = (
                        lax.broadcasted_iota(jnp.int32, (16,), 0)
                        + (s * ROWS_PER_SUB + b * B + q * 16)
                    )
                    return 0
                lax.fori_loop(0, B // 16, lane2, 0)

                pltpu.async_copy(bond_h.at[ia], rows, sem).wait()
                pltpu.sync_copy(rows, acc.at[li], add=True)
                pltpu.async_copy(bond_h.at[ib], rows, sem).wait()
                pltpu.sync_copy(rows, acc.at[li], add=True)
                return 0
            lax.fori_loop(0, ROWS_PER_SUB // B, bond_body, 0)

            plsc.subcore_barrier()
            pltpu.sync_copy(
                acc.at[pl.ds(s * ROWS_PER_SUB, ROWS_PER_SUB)],
                out_h.at[pl.ds(lo + s * ROWS_PER_SUB, ROWS_PER_SUB)],
            )
            plsc.subcore_barrier()
            return 0

        lax.fori_loop(0, NCHUNK // NCORE, chunk_body, 0)

    return k(bond, cycle, i0, i1, src, dst, zeros_blk)


BLK = 4000
NBLK = E // BLK


def _mm(a, w):
    return lax.dot_general(a, w, (((1,), (1,)), ((), ())),
                           preferred_element_type=jnp.float32)


def _pass1_body(x_ref, g_ref, we_ref, we2_ref, wl_ref, wl2_ref,
                t_ref, sums_ref, acc_ref):
    i = pl.program_id(0)
    h = _mm(_mm(x_ref[:], we_ref[:]), we2_ref[:]) + g_ref[:]
    y = _mm(_mm(h, wl_ref[:]), wl2_ref[:])
    t_ref[:] = y

    @pl.when(i == 0)
    def _():
        acc_ref[:] = jnp.zeros_like(acc_ref)

    acc_ref[0, :] += jnp.sum(y, axis=0)
    acc_ref[1, :] += jnp.sum(y * y, axis=0)

    @pl.when(i == NBLK - 1)
    def _():
        sums_ref[:] = acc_ref[:]


def _pass2_body(t_ref, sums_ref, gamma_ref, beta_ref, out_ref):
    mean = sums_ref[0:1, :] * (1.0 / E)
    var = sums_ref[1:2, :] * (1.0 / E) - mean * mean
    inv = lax.rsqrt(var + 1e-5)
    xn = (t_ref[:] - mean) * inv * gamma_ref[0:1, :] + beta_ref[0:1, :]
    out_ref[:] = xn * 0.5 * (1.0 + lax.erf(xn * (1.0 / math.sqrt(2.0))))


def kernel(x, bond, cycle, W_edge, W_edge2, W_lin, W_lin2,
           bn_gamma, bn_beta, edge_index, cycle_info):
    i0 = jnp.concatenate([edge_index[0], jnp.zeros((EPAD - E,), jnp.int32)])
    i1 = jnp.concatenate([edge_index[1], jnp.zeros((EPAD - E,), jnp.int32)])
    src = jnp.concatenate([cycle_info[2], jnp.zeros((MPAD - M,), jnp.int32)])
    dst = jnp.concatenate([cycle_info[3],
                           jnp.full((MPAD - M,), jnp.int32(2 ** 30))])
    zeros_blk = jnp.zeros((ROWS_PER_SUB, D), jnp.float32)

    g_full = _sc_gather_scatter(bond, cycle, i0, i1, src, dst, zeros_blk)
    g = g_full[:E]

    t, sums = pl.pallas_call(
        _pass1_body,
        grid=(NBLK,),
        in_specs=[
            pl.BlockSpec((BLK, D), lambda i: (i, 0)),
            pl.BlockSpec((BLK, D), lambda i: (i, 0)),
            pl.BlockSpec((D, D), lambda i: (0, 0)),
            pl.BlockSpec((D, D), lambda i: (0, 0)),
            pl.BlockSpec((D, D), lambda i: (0, 0)),
            pl.BlockSpec((D, D), lambda i: (0, 0)),
        ],
        out_specs=[
            pl.BlockSpec((BLK, D), lambda i: (i, 0)),
            pl.BlockSpec((8, D), lambda i: (0, 0)),
        ],
        out_shape=[
            jax.ShapeDtypeStruct((E, D), jnp.float32),
            jax.ShapeDtypeStruct((8, D), jnp.float32),
        ],
        scratch_shapes=[pltpu.VMEM((8, D), jnp.float32)],
    )(x, g, W_edge, W_edge2, W_lin, W_lin2)

    out = pl.pallas_call(
        _pass2_body,
        grid=(NBLK,),
        in_specs=[
            pl.BlockSpec((BLK, D), lambda i: (i, 0)),
            pl.BlockSpec((8, D), lambda i: (0, 0)),
            pl.BlockSpec((1, D), lambda i: (0, 0)),
            pl.BlockSpec((1, D), lambda i: (0, 0)),
        ],
        out_specs=pl.BlockSpec((BLK, D), lambda i: (i, 0)),
        out_shape=jax.ShapeDtypeStruct((E, D), jnp.float32),
    )(t, sums, bn_gamma.reshape(1, D), bn_beta.reshape(1, D))

    return out

# --- scband reference (transcript-rebuilt; emitter-appended) ---
"""Pipeline reference for scband-edge-agg-layer-77197742178844 (READ-ONLY COPY).

The authoritative reference and input builder live on the scoring server;
editing this copy changes nothing except your own understanding.
"""

import jax, jax.numpy as jnp
import numpy as np

E = 320000
D = 128
C = 50000
M = 200000


def _kaiming_uniform(key, out_dim, in_dim):
    # kaiming_uniform_ with nonlinearity='relu', mode='fan_in': bound = sqrt(6/fan_in)
    bound = float(np.sqrt(6.0 / in_dim))
    return jax.random.uniform(key, (out_dim, in_dim), minval=-bound, maxval=bound, dtype=jnp.float32)


def setup_inputs(seed: int = 0) -> dict:
    key = jax.random.key(seed)
    ks = jax.random.split(key, 10)
    x = jax.random.normal(ks[0], (E, D), dtype=jnp.float32)
    bond = jax.random.normal(ks[1], (E, D), dtype=jnp.float32)
    cycle = jax.random.normal(ks[2], (C, D), dtype=jnp.float32)
    edge_index = jax.random.randint(ks[3], (2, E), 0, E, dtype=jnp.int32)
    cycle_info = jax.random.randint(ks[4], (4, M), 0, C, dtype=jnp.int32)
    W_edge = _kaiming_uniform(ks[5], D, D)
    W_edge2 = _kaiming_uniform(ks[6], D, D)
    W_lin = _kaiming_uniform(ks[7], D, D)
    W_lin2 = _kaiming_uniform(ks[8], D, D)
    bn_gamma = jnp.ones((D,), dtype=jnp.float32)
    bn_beta = jnp.zeros((D,), dtype=jnp.float32)
    return {
        'x': x, 'bond': bond, 'cycle': cycle,
        'W_edge': W_edge, 'W_edge2': W_edge2, 'W_lin': W_lin, 'W_lin2': W_lin2,
        'bn_gamma': bn_gamma, 'bn_beta': bn_beta,
        'edge_index': edge_index, 'cycle_info': cycle_info,
    }


def reference(x, bond, cycle, W_edge, W_edge2, W_lin, W_lin2, bn_gamma, bn_beta, edge_index, cycle_info):
    # edge_lin, edge_lin2 (Linear with bias=False: x @ W.T)
    h = x @ W_edge.T
    h = h @ W_edge2.T
    # gathers from bond table along line-graph edge index
    x_out = jnp.take(bond, edge_index[0], axis=0)
    x_in = jnp.take(bond, edge_index[1], axis=0)
    # scatter-sum of cycle features into edge rows
    msgs = jnp.take(cycle, cycle_info[2], axis=0)
    x_cycle = jnp.zeros((h.shape[0], msgs.shape[1]), dtype=h.dtype).at[cycle_info[3]].add(msgs)
    h = (h + x_out + x_in + x_cycle) @ W_lin.T
    h = h @ W_lin2.T
    # BatchNorm1d (training-mode batch stats, eps=1e-5, affine)
    mean = jnp.mean(h, axis=0)
    var = jnp.var(h, axis=0)
    h = (h - mean) / jnp.sqrt(var + 1e-5) * bn_gamma + bn_beta
    # exact GELU; dropout p=0.0 is identity
    h = jax.nn.gelu(h, approximate=False)
    return h

if __name__ == "__main__":
    import jax
    _d = setup_inputs()
    print(jax.jit(kernel)(*tuple(_d.values())))

</pallas_src>

<mosaic_0001>
#map = affine_map<(d0, d1) -> (0, 0)>
#map1 = affine_map<(d0, d1) -> (0)>
module attributes {stable_mosaic.version = 14 : i64} {
  func.func @k(%arg0: i32, %arg1: i32, %arg2: memref<320000x128xf32, #tpu.memory_space<hbm>>, %arg3: memref<50000x128xf32, #tpu.memory_space<hbm>>, %arg4: memref<344064xi32, #tpu.memory_space<hbm>>, %arg5: memref<344064xi32, #tpu.memory_space<hbm>>, %arg6: memref<204800xi32, #tpu.memory_space<hbm>>, %arg7: memref<204800xi32, #tpu.memory_space<hbm>>, %arg8: memref<768x128xf32, #tpu.memory_space<hbm>>, %arg9: memref<344064x128xf32, #tpu.memory_space<hbm>>, %arg10: memref<128xi32, #tpu.memory_space<vmem>>, %arg11: memref<128xi32, #tpu.memory_space<vmem>>, %arg12: memref<128xi32, #tpu.memory_space<vmem>>, %arg13: memref<128x128xf32, #tpu.memory_space<vmem>>, %arg14: memref<12304x128xf32, #tpu.memory_space<vmem_shared>>, %arg15: memref<!tpu.dma_semaphore, #tpu.memory_space<semaphore_mem>>) attributes {dimension_semantics = [#tpu.dimension_semantics<core_parallel>, #tpu.dimension_semantics<subcore_parallel>], iteration_bounds = array<i64: 2, 16>, scalar_prefetch = 0 : i64, scratch_operands = 6 : i64, tpu.core_type = #tpu.core_type<sc_vector_subcore>, window_params = [{transform_indices = #map}, {transform_indices = #map}, {transform_indices = #map1}, {transform_indices = #map1}, {transform_indices = #map1}, {transform_indices = #map1}, {transform_indices = #map}, {transform_indices = #map}]} {
    %scan3A = arith.constant 0 : i32
    %scan3A_0 = arith.constant 0 : i32
    %scan3A_1 = arith.constant 14 : i32
    %scan3A_2 = arith.addi %scan3A_0, %scan3A_1 : i32
    %scan3A_3 = arith.constant 1 : i32
    %scan3A_4 = scf.for %scan3A_6 = %scan3A_0 to %scan3A_2 step %scan3A_3 iter_args(%scan3A_7 = %scan3A) -> (i32)  : i32 {
      %mul3A = arith.constant 2 : i32
      %mul3A_8 = arith.muli %scan3A_6, %mul3A : i32
      %add3A = arith.addi %mul3A_8, %arg0 : i32
      %mul3A_9 = arith.constant 12288 : i32
      %mul3A_10 = arith.muli %add3A, %mul3A_9 : i32
      %mul3A_11 = arith.constant 768 : i32
      %mul3A_12 = arith.muli %arg1, %mul3A_11 : i32
      "tpu.region"() ({
        %run_scoped3A = tpu.sem_alloc : memref<!tpu.dma_semaphore, #tpu.memory_space<semaphore_mem>>
        %dma_start3A = arith.constant 0 : i32
        %dma_start3A_35 = tpu.memref_slice %arg14[%mul3A_12, %dma_start3A] : memref<12304x128xf32, #tpu.memory_space<vmem_shared>> -> memref<768x128xf32, #tpu.memory_space<vmem_shared>>
        tpu.enqueue_dma source(%arg8 : memref<768x128xf32, #tpu.memory_space<hbm>>) target(%dma_start3A_35 : memref<768x128xf32, #tpu.memory_space<vmem_shared>>) target_semaphore(%run_scoped3A : memref<!tpu.dma_semaphore, #tpu.memory_space<semaphore_mem>>)
        %dma_wait3A = arith.constant 0 : i32
        %dma_wait3A_36 = tpu.memref_slice %arg14[%mul3A_12, %dma_wait3A] : memref<12304x128xf32, #tpu.memory_space<vmem_shared>> -> memref<768x128xf32, #tpu.memory_space<vmem_shared>>
        tpu.wait_dma2 semaphore(%run_scoped3A : memref<!tpu.dma_semaphore, #tpu.memory_space<semaphore_mem>>) src(%arg8 : memref<768x128xf32, #tpu.memory_space<hbm>>) dst(%dma_wait3A_36 : memref<768x128xf32, #tpu.memory_space<vmem_shared>>)
        tpu.yield
      }) : () -> ()
      %barrier3A = arith.constant 0 : index
      tpu.barrier barrier_id(%barrier3A)
      %scan3A_13 = arith.constant 0 : i32
      %scan3A_14 = arith.constant 0 : i32
      %scan3A_15 = arith.constant 100 : i32
      %scan3A_16 = arith.addi %scan3A_14, %scan3A_15 : i32
      %scan3A_17 = arith.constant 1 : i32
      %scan3A_18 = scf.for %scan3A_35 = %scan3A_14 to %scan3A_16 step %scan3A_17 iter_args(%scan3A_36 = %scan3A_13) -> (i32)  : i32 {
        %mul3A_37 = arith.constant 12800 : i32
        %mul3A_38 = arith.muli %arg1, %mul3A_37 : i32
        %mul3A_39 = arith.constant 128 : i32
        %mul3A_40 = arith.muli %scan3A_35, %mul3A_39 : i32
        %add3A_41 = arith.addi %mul3A_38, %mul3A_40 : i32
        "tpu.region"() ({
          %run_scoped3A = tpu.sem_alloc : memref<!tpu.dma_semaphore, #tpu.memory_space<semaphore_mem>>
          %dma_start3A_54 = tpu.memref_slice %arg6[%add3A_41] : memref<204800xi32, #tpu.memory_space<hbm>> -> memref<128xi32, #tpu.memory_space<hbm>>
          %dma_start3A_55 = tpu.memref_slice %arg6[%add3A_41] : memref<204800xi32, #tpu.memory_space<hbm>> -> memref<128xi32, #tpu.memory_space<hbm>>
          tpu.enqueue_dma source(%dma_start3A_55 : memref<128xi32, #tpu.memory_space<hbm>>) target(%arg10 : memref<128xi32, #tpu.memory_space<vmem>>) target_semaphore(%run_scoped3A : memref<!tpu.dma_semaphore, #tpu.memory_space<semaphore_mem>>)
          %dma_wait3A_56 = tpu.memref_slice %arg6[%add3A_41] : memref<204800xi32, #tpu.memory_space<hbm>> -> memref<128xi32, #tpu.memory_space<hbm>>
          %dma_wait3A_57 = tpu.memref_slice %arg6[%add3A_41] : memref<204800xi32, #tpu.memory_space<hbm>> -> memref<128xi32, #tpu.memory_space<hbm>>
          tpu.wait_dma2 semaphore(%run_scoped3A : memref<!tpu.dma_semaphore, #tpu.memory_space<semaphore_mem>>) src(%dma_wait3A_57 : memref<128xi32, #tpu.memory_space<hbm>>) dst(%arg10 : memref<128xi32, #tpu.memory_space<vmem>>)
          tpu.yield
        }) : () -> ()
        "tpu.region"() ({
          %run_scoped3A = tpu.sem_alloc : memref<!tpu.dma_semaphore, #tpu.memory_space<semaphore_mem>>
          %dma_start3A_54 = tpu.memref_slice %arg7[%add3A_41] : memref<204800xi32, #tpu.memory_space<hbm>> -> memref<128xi32, #tpu.memory_space<hbm>>
          %dma_start3A_55 = tpu.memref_slice %arg7[%add3A_41] : memref<204800xi32, #tpu.memory_space<hbm>> -> memref<128xi32, #tpu.memory_space<hbm>>
          tpu.enqueue_dma source(%dma_start3A_55 : memref<128xi32, #tpu.memory_space<hbm>>) target(%arg11 : memref<128xi32, #tpu.memory_space<vmem>>) target_semaphore(%run_scoped3A : memref<!tpu.dma_semaphore, #tpu.memory_space<semaphore_mem>>)
          %dma_wait3A_56 = tpu.memref_slice %arg7[%add3A_41] : memref<204800xi32, #tpu.memory_space<hbm>> -> memref<128xi32, #tpu.memory_space<hbm>>
          %dma_wait3A_57 = tpu.memref_slice %arg7[%add3A_41] : memref<204800xi32, #tpu.memory_space<hbm>> -> memref<128xi32, #tpu.memory_space<hbm>>
          tpu.wait_dma2 semaphore(%run_scoped3A : memref<!tpu.dma_semaphore, #tpu.memory_space<semaphore_mem>>) src(%dma_wait3A_57 : memref<128xi32, #tpu.memory_space<hbm>>) dst(%arg11 : memref<128xi32, #tpu.memory_space<vmem>>)
          tpu.yield
        }) : () -> ()
        %scan3A_42 = arith.constant 0 : i32
        %scan3A_43 = arith.constant 0 : i32
        %scan3A_44 = arith.constant 8 : i32
        %scan3A_45 = arith.addi %scan3A_43, %scan3A_44 : i32
        %scan3A_46 = arith.constant 1 : i32
        %scan3A_47 = scf.for %scan3A_54 = %scan3A_43 to %scan3A_45 step %scan3A_46 iter_args(%scan3A_55 = %scan3A_42) -> (i32)  : i32 {
          %mul3A_56 = arith.constant 16 : i32
          %mul3A_57 = arith.muli %scan3A_54, %mul3A_56 : i32
          %get3A = arith.index_cast %mul3A_57 : i32 to index
          %get3A_58 = tpu.vector_load %arg11[%get3A] {strides = array<i32>} : memref<128xi32, #tpu.memory_space<vmem>>, vector<16xi32>,
          %get3A_59 = vector.shape_cast %get3A_58 : vector<16xi32> to vector<16xi32>
          %ge3A = vector.broadcast %mul3A_10 : i32 to vector<16xi32>
          %ge3A_60 = arith.cmpi sge, %get3A_59, %ge3A : vector<16xi32>
          %add3A_61 = arith.constant 12288 : i32
          %add3A_62 = arith.addi %mul3A_10, %add3A_61 : i32
          %lt3A = vector.broadcast %add3A_62 : i32 to vector<16xi32>
          %lt3A_63 = arith.cmpi slt, %get3A_59, %lt3A : vector<16xi32>
          %and3A = arith.andi %ge3A_60, %lt3A_63 : vector<16xi1>
          %sub3A = vector.broadcast %mul3A_10 : i32 to vector<16xi32>
          %sub3A_64 = arith.subi %get3A_59, %sub3A : vector<16xi32>
          %jit3A = arith.constant 12288 : i32
          %broadcast_in_dim3A = vector.broadcast %jit3A : i32 to vector<16xi32>
          %select_n3A = arith.select %and3A, %sub3A_64, %broadcast_in_dim3A : vector<16xi1>, vector<16xi32>
          %mul3A_65 = arith.constant 16 : i32
          %mul3A_66 = arith.muli %scan3A_54, %mul3A_65 : i32
          %swap3A = arith.index_cast %mul3A_66 : i32 to index
          %swap3A_67 = tpu.vector_load %arg12[%swap3A] {strides = array<i32>} : memref<128xi32, #tpu.memory_space<vmem>>, vector<16xi32>,
          %swap3A_68 = vector.shape_cast %swap3A_67 : vector<16xi32> to vector<16xi32>
          %swap3A_69 = vector.shape_cast %select_n3A : vector<16xi32> to vector<16xi32>
          tpu.vector_store %arg12[%swap3A], %swap3A_69 {strides = array<i32>} : memref<128xi32, #tpu.memory_space<vmem>>, vector<16xi32>,
          %scan3A_70 = arith.constant 0 : i32
          scf.yield %scan3A_70 : i32
        }
        %scan3A_48 = arith.constant 8 : i32
        %dma_start3A = arith.constant 0 : i32
        %dma_start3A_49 = arith.constant 0 : i32
        %dma_start3A_50 = tpu.memref_slice %arg3[%dma_start3A, %dma_start3A_49] : memref<50000x128xf32, #tpu.memory_space<hbm>> -> memref<50000x128xf32, #tpu.memory_space<hbm>>
        tpu.enqueue_indirect_dma source(%dma_start3A_50 : memref<50000x128xf32, #tpu.memory_space<hbm>>) target(%arg13 : memref<128x128xf32, #tpu.memory_space<vmem>>) offsets(%arg10 : memref<128xi32, #tpu.memory_space<vmem>>) semaphore(%arg15 : memref<!tpu.dma_semaphore, #tpu.memory_space<semaphore_mem>>)
        %dma_wait3A = arith.constant 0 : i32
        %dma_wait3A_51 = arith.constant 0 : i32
        %dma_wait3A_52 = tpu.memref_slice %arg3[%dma_wait3A, %dma_wait3A_51] : memref<50000x128xf32, #tpu.memory_space<hbm>> -> memref<50000x128xf32, #tpu.memory_space<hbm>>
        tpu.wait_indirect_dma semaphore(%arg15 : memref<!tpu.dma_semaphore, #tpu.memory_space<semaphore_mem>>) src(%dma_wait3A_52 : memref<50000x128xf32, #tpu.memory_space<hbm>>) dst(%arg13 : memref<128x128xf32, #tpu.memory_space<vmem>>)
        "tpu.region"() ({
          %run_scoped3A = tpu.sem_alloc : memref<!tpu.dma_semaphore, #tpu.memory_space<semaphore_mem>>
          %dma_start3A_54 = arith.constant 0 : i32
          %dma_start3A_55 = arith.constant 0 : i32
          %dma_start3A_56 = tpu.memref_slice %arg14[%dma_start3A_54, %dma_start3A_55] : memref<12304x128xf32, #tpu.memory_space<vmem_shared>> -> memref<12304x128xf32, #tpu.memory_space<vmem_shared>>
          tpu.enqueue_indirect_dma source(%arg13 : memref<128x128xf32, #tpu.memory_space<vmem>>) target(%dma_start3A_56 : memref<12304x128xf32, #tpu.memory_space<vmem_shared>>) offsets(%arg12 : memref<128xi32, #tpu.memory_space<vmem>>) semaphore(%run_scoped3A : memref<!tpu.dma_semaphore, #tpu.memory_space<semaphore_mem>>) {add = true}
          %dma_wait3A_57 = arith.constant 0 : i32
          %dma_wait3A_58 = arith.constant 0 : i32
          %dma_wait3A_59 = tpu.memref_slice %arg14[%dma_wait3A_57, %dma_wait3A_58] : memref<12304x128xf32, #tpu.memory_space<vmem_shared>> -> memref<12304x128xf32, #tpu.memory_space<vmem_shared>>
          tpu.wait_indirect_dma semaphore(%run_scoped3A : memref<!tpu.dma_semaphore, #tpu.memory_space<semaphore_mem>>) src(%arg13 : memref<128x128xf32, #tpu.memory_space<vmem>>) dst(%dma_wait3A_59 : memref<12304x128xf32, #tpu.memory_space<vmem_shared>>)
          tpu.yield
        }) : () -> ()
        %scan3A_53 = arith.constant 0 : i32
        scf.yield %scan3A_53 : i32
      }
      %scan3A_19 = arith.constant 100 : i32
      %scan3A_20 = arith.constant 0 : i32
      %scan3A_21 = arith.constant 0 : i32
      %scan3A_22 = arith.constant 6 : i32
      %scan3A_23 = arith.addi %scan3A_21, %scan3A_22 : i32
      %scan3A_24 = arith.constant 1 : i32
      %scan3A_25 = scf.for %scan3A_35 = %scan3A_21 to %scan3A_23 step %scan3A_24 iter_args(%scan3A_36 = %scan3A_20) -> (i32)  : i32 {
        %mul3A_37 = arith.constant 768 : i32
        %mul3A_38 = arith.muli %arg1, %mul3A_37 : i32
        %add3A_39 = arith.addi %mul3A_10, %mul3A_38 : i32
        %mul3A_40 = arith.constant 128 : i32
        %mul3A_41 = arith.muli %scan3A_35, %mul3A_40 : i32
        %add3A_42 = arith.addi %add3A_39, %mul3A_41 : i32
        "tpu.region"() ({
          %run_scoped3A = tpu.sem_alloc : memref<!tpu.dma_semaphore, #tpu.memory_space<semaphore_mem>>
          %dma_start3A_61 = tpu.memref_slice %arg4[%add3A_42] : memref<344064xi32, #tpu.memory_space<hbm>> -> memref<128xi32, #tpu.memory_space<hbm>>
          %dma_start3A_62 = tpu.memref_slice %arg4[%add3A_42] : memref<344064xi32, #tpu.memory_space<hbm>> -> memref<128xi32, #tpu.memory_space<hbm>>
          tpu.enqueue_dma source(%dma_start3A_62 : memref<128xi32, #tpu.memory_space<hbm>>) target(%arg10 : memref<128xi32, #tpu.memory_space<vmem>>) target_semaphore(%run_scoped3A : memref<!tpu.dma_semaphore, #tpu.memory_space<semaphore_mem>>)
          %dma_wait3A_63 = tpu.memref_slice %arg4[%add3A_42] : memref<344064xi32, #tpu.memory_space<hbm>> -> memref<128xi32, #tpu.memory_space<hbm>>
          %dma_wait3A_64 = tpu.memref_slice %arg4[%add3A_42] : memref<344064xi32, #tpu.memory_space<hbm>> -> memref<128xi32, #tpu.memory_space<hbm>>
          tpu.wait_dma2 semaphore(%run_scoped3A : memref<!tpu.dma_semaphore, #tpu.memory_space<semaphore_mem>>) src(%dma_wait3A_64 : memref<128xi32, #tpu.memory_space<hbm>>) dst(%arg10 : memref<128xi32, #tpu.memory_space<vmem>>)
          tpu.yield
        }) : () -> ()
        "tpu.region"() ({
          %run_scoped3A = tpu.sem_alloc : memref<!tpu.dma_semaphore, #tpu.memory_space<semaphore_mem>>
          %dma_start3A_61 = tpu.memref_slice %arg5[%add3A_42] : memref<344064xi32, #tpu.memory_space<hbm>> -> memref<128xi32, #tpu.memory_space<hbm>>
          %dma_start3A_62 = tpu.memref_slice %arg5[%add3A_42] : memref<344064xi32, #tpu.memory_space<hbm>> -> memref<128xi32, #tpu.memory_space<hbm>>
          tpu.enqueue_dma source(%dma_start3A_62 : memref<128xi32, #tpu.memory_space<hbm>>) target(%arg11 : memref<128xi32, #tpu.memory_space<vmem>>) target_semaphore(%run_scoped3A : memref<!tpu.dma_semaphore, #tpu.memory_space<semaphore_mem>>)
          %dma_wait3A_63 = tpu.memref_slice %arg5[%add3A_42] : memref<344064xi32, #tpu.memory_space<hbm>> -> memref<128xi32, #tpu.memory_space<hbm>>
          %dma_wait3A_64 = tpu.memref_slice %arg5[%add3A_42] : memref<344064xi32, #tpu.memory_space<hbm>> -> memref<128xi32, #tpu.memory_space<hbm>>
          tpu.wait_dma2 semaphore(%run_scoped3A : memref<!tpu.dma_semaphore, #tpu.memory_space<semaphore_mem>>) src(%dma_wait3A_64 : memref<128xi32, #tpu.memory_space<hbm>>) dst(%arg11 : memref<128xi32, #tpu.memory_space<vmem>>)
          tpu.yield
        }) : () -> ()
        %scan3A_43 = arith.constant 0 : i32
        %scan3A_44 = arith.constant 0 : i32
        %scan3A_45 = arith.constant 8 : i32
        %scan3A_46 = arith.addi %scan3A_44, %scan3A_45 : i32
        %scan3A_47 = arith.constant 1 : i32
        %scan3A_48 = scf.for %scan3A_61 = %scan3A_44 to %scan3A_46 step %scan3A_47 iter_args(%scan3A_62 = %scan3A_43) -> (i32)  : i32 {
          %iota3A = tpu.iota {dimensions = array<i32: 0>} : vector<16xi32>
          %mul3A_63 = arith.constant 768 : i32
          %mul3A_64 = arith.muli %arg1, %mul3A_63 : i32
          %mul3A_65 = arith.constant 128 : i32
          %mul3A_66 = arith.muli %scan3A_35, %mul3A_65 : i32
          %add3A_67 = arith.addi %mul3A_64, %mul3A_66 : i32
          %mul3A_68 = arith.constant 16 : i32
          %mul3A_69 = arith.muli %scan3A_61, %mul3A_68 : i32
          %add3A_70 = arith.addi %add3A_67, %mul3A_69 : i32
          %add3A_71 = vector.broadcast %add3A_70 : i32 to vector<16xi32>
          %add3A_72 = arith.addi %iota3A, %add3A_71 : vector<16xi32>
          %mul3A_73 = arith.constant 16 : i32
          %mul3A_74 = arith.muli %scan3A_61, %mul3A_73 : i32
          %swap3A = arith.index_cast %mul3A_74 : i32 to index
          %swap3A_75 = tpu.vector_load %arg12[%swap3A] {strides = array<i32>} : memref<128xi32, #tpu.memory_space<vmem>>, vector<16xi32>,
          %swap3A_76 = vector.shape_cast %swap3A_75 : vector<16xi32> to vector<16xi32>
          %swap3A_77 = vector.shape_cast %add3A_72 : vector<16xi32> to vector<16xi32>
          tpu.vector_store %arg12[%swap3A], %swap3A_77 {strides = array<i32>} : memref<128xi32, #tpu.memory_space<vmem>>, vector<16xi32>,
          %scan3A_78 = arith.constant 0 : i32
          scf.yield %scan3A_78 : i32
        }
        %scan3A_49 = arith.constant 8 : i32
        %dma_start3A = arith.constant 0 : i32
        %dma_start3A_50 = arith.constant 0 : i32
        %dma_start3A_51 = tpu.memref_slice %arg2[%dma_start3A, %dma_start3A_50] : memref<320000x128xf32, #tpu.memory_space<hbm>> -> memref<320000x128xf32, #tpu.memory_space<hbm>>
        tpu.enqueue_indirect_dma source(%dma_start3A_51 : memref<320000x128xf32, #tpu.memory_space<hbm>>) target(%arg13 : memref<128x128xf32, #tpu.memory_space<vmem>>) offsets(%arg10 : memref<128xi32, #tpu.memory_space<vmem>>) semaphore(%arg15 : memref<!tpu.dma_semaphore, #tpu.memory_space<semaphore_mem>>)
        %dma_wait3A = arith.constant 0 : i32
        %dma_wait3A_52 = arith.constant 0 : i32
        %dma_wait3A_53 = tpu.memref_slice %arg2[%dma_wait3A, %dma_wait3A_52] : memref<320000x128xf32, #tpu.memory_space<hbm>> -> memref<320000x128xf32, #tpu.memory_space<hbm>>
        tpu.wait_indirect_dma semaphore(%arg15 : memref<!tpu.dma_semaphore, #tpu.memory_space<semaphore_mem>>) src(%dma_wait3A_53 : memref<320000x128xf32, #tpu.memory_space<hbm>>) dst(%arg13 : memref<128x128xf32, #tpu.memory_space<vmem>>)
        "tpu.region"() ({
          %run_scoped3A = tpu.sem_alloc : memref<!tpu.dma_semaphore, #tpu.memory_space<semaphore_mem>>
          %dma_start3A_61 = arith.constant 0 : i32
          %dma_start3A_62 = arith.constant 0 : i32
          %dma_start3A_63 = tpu.memref_slice %arg14[%dma_start3A_61, %dma_start3A_62] : memref<12304x128xf32, #tpu.memory_space<vmem_shared>> -> memref<12304x128xf32, #tpu.memory_space<vmem_shared>>
          tpu.enqueue_indirect_dma source(%arg13 : memref<128x128xf32, #tpu.memory_space<vmem>>) target(%dma_start3A_63 : memref<12304x128xf32, #tpu.memory_space<vmem_shared>>) offsets(%arg12 : memref<128xi32, #tpu.memory_space<vmem>>) semaphore(%run_scoped3A : memref<!tpu.dma_semaphore, #tpu.memory_space<semaphore_mem>>) {add = true}
          %dma_wait3A_64 = arith.constant 0 : i32
          %dma_wait3A_65 = arith.constant 0 : i32
          %dma_wait3A_66 = tpu.memref_slice %arg14[%dma_wait3A_64, %dma_wait3A_65] : memref<12304x128xf32, #tpu.memory_space<vmem_shared>> -> memref<12304x128xf32, #tpu.memory_space<vmem_shared>>
          tpu.wait_indirect_dma semaphore(%run_scoped3A : memref<!tpu.dma_semaphore, #tpu.memory_space<semaphore_mem>>) src(%arg13 : memref<128x128xf32, #tpu.memory_space<vmem>>) dst(%dma_wait3A_66 : memref<12304x128xf32, #tpu.memory_space<vmem_shared>>)
          tpu.yield
        }) : () -> ()
        %dma_start3A_54 = arith.constant 0 : i32
        %dma_start3A_55 = arith.constant 0 : i32
        %dma_start3A_56 = tpu.memref_slice %arg2[%dma_start3A_54, %dma_start3A_55] : memref<320000x128xf32, #tpu.memory_space<hbm>> -> memref<320000x128xf32, #tpu.memory_space<hbm>>
        tpu.enqueue_indirect_dma source(%dma_start3A_56 : memref<320000x128xf32, #tpu.memory_space<hbm>>) target(%arg13 : memref<128x128xf32, #tpu.memory_space<vmem>>) offsets(%arg11 : memref<128xi32, #tpu.memory_space<vmem>>) semaphore(%arg15 : memref<!tpu.dma_semaphore, #tpu.memory_space<semaphore_mem>>)
        %dma_wait3A_57 = arith.constant 0 : i32
        %dma_wait3A_58 = arith.constant 0 : i32
        %dma_wait3A_59 = tpu.memref_slice %arg2[%dma_wait3A_57, %dma_wait3A_58] : memref<320000x128xf32, #tpu.memory_space<hbm>> -> memref<320000x128xf32, #tpu.memory_space<hbm>>
        tpu.wait_indirect_dma semaphore(%arg15 : memref<!tpu.dma_semaphore, #tpu.memory_space<semaphore_mem>>) src(%dma_wait3A_59 : memref<320000x128xf32, #tpu.memory_space<hbm>>) dst(%arg13 : memref<128x128xf32, #tpu.memory_space<vmem>>)
        "tpu.region"() ({
          %run_scoped3A = tpu.sem_alloc : memref<!tpu.dma_semaphore, #tpu.memory_space<semaphore_mem>>
          %dma_start3A_61 = arith.constant 0 : i32
          %dma_start3A_62 = arith.constant 0 : i32
          %dma_start3A_63 = tpu.memref_slice %arg14[%dma_start3A_61, %dma_start3A_62] : memref<12304x128xf32, #tpu.memory_space<vmem_shared>> -> memref<12304x128xf32, #tpu.memory_space<vmem_shared>>
          tpu.enqueue_indirect_dma source(%arg13 : memref<128x128xf32, #tpu.memory_space<vmem>>) target(%dma_start3A_63 : memref<12304x128xf32, #tpu.memory_space<vmem_shared>>) offsets(%arg12 : memref<128xi32, #tpu.memory_space<vmem>>) semaphore(%run_scoped3A : memref<!tpu.dma_semaphore, #tpu.memory_space<semaphore_mem>>) {add = true}
          %dma_wait3A_64 = arith.constant 0 : i32
          %dma_wait3A_65 = arith.constant 0 : i32
          %dma_wait3A_66 = tpu.memref_slice %arg14[%dma_wait3A_64, %dma_wait3A_65] : memref<12304x128xf32, #tpu.memory_space<vmem_shared>> -> memref<12304x128xf32, #tpu.memory_space<vmem_shared>>
          tpu.wait_indirect_dma semaphore(%run_scoped3A : memref<!tpu.dma_semaphore, #tpu.memory_space<semaphore_mem>>) src(%arg13 : memref<128x128xf32, #tpu.memory_space<vmem>>) dst(%dma_wait3A_66 : memref<12304x128xf32, #tpu.memory_space<vmem_shared>>)
          tpu.yield
        }) : () -> ()
        %scan3A_60 = arith.constant 0 : i32
        scf.yield %scan3A_60 : i32
      }
      %scan3A_26 = arith.constant 6 : i32
      %barrier3A_27 = arith.constant 0 : index
      tpu.barrier barrier_id(%barrier3A_27)
      %mul3A_28 = arith.constant 768 : i32
      %mul3A_29 = arith.muli %arg1, %mul3A_28 : i32
      %mul3A_30 = arith.constant 768 : i32
      %mul3A_31 = arith.muli %arg1, %mul3A_30 : i32
      %add3A_32 = arith.addi %mul3A_10, %mul3A_31 : i32
      "tpu.region"() ({
        %run_scoped3A = tpu.sem_alloc : memref<!tpu.dma_semaphore, #tpu.memory_space<semaphore_mem>>
        %dma_start3A = arith.constant 0 : i32
        %dma_start3A_35 = tpu.memref_slice %arg9[%add3A_32, %dma_start3A] : memref<344064x128xf32, #tpu.memory_space<hbm>> -> memref<768x128xf32, #tpu.memory_space<hbm>>
        %dma_start3A_36 = arith.constant 0 : i32
        %dma_start3A_37 = tpu.memref_slice %arg14[%mul3A_29, %dma_start3A_36] : memref<12304x128xf32, #tpu.memory_space<vmem_shared>> -> memref<768x128xf32, #tpu.memory_space<vmem_shared>>
        tpu.enqueue_dma source(%dma_start3A_37 : memref<768x128xf32, #tpu.memory_space<vmem_shared>>) target(%dma_start3A_35 : memref<768x128xf32, #tpu.memory_space<hbm>>) target_semaphore(%run_scoped3A : memref<!tpu.dma_semaphore, #tpu.memory_space<semaphore_mem>>)
        %dma_wait3A = arith.constant 0 : i32
        %dma_wait3A_38 = tpu.memref_slice %arg9[%add3A_32, %dma_wait3A] : memref<344064x128xf32, #tpu.memory_space<hbm>> -> memref<768x128xf32, #tpu.memory_space<hbm>>
        %dma_wait3A_39 = arith.constant 0 : i32
        %dma_wait3A_40 = tpu.memref_slice %arg14[%mul3A_29, %dma_wait3A_39] : memref<12304x128xf32, #tpu.memory_space<vmem_shared>> -> memref<768x128xf32, #tpu.memory_space<vmem_shared>>
        tpu.wait_dma2 semaphore(%run_scoped3A : memref<!tpu.dma_semaphore, #tpu.memory_space<semaphore_mem>>) src(%dma_wait3A_40 : memref<768x128xf32, #tpu.memory_space<vmem_shared>>) dst(%dma_wait3A_38 : memref<768x128xf32, #tpu.memory_space<hbm>>)
        tpu.yield
      }) : () -> ()
      %barrier3A_33 = arith.constant 0 : index
      tpu.barrier barrier_id(%barrier3A_33)
      %scan3A_34 = arith.constant 0 : i32
      scf.yield %scan3A_34 : i32
    }
    %scan3A_5 = arith.constant 14 : i32
    return
  }
}

module attributes {stable_mosaic.version = 14 : i64} {
  func.func @_pass1_body(%arg0: i32, %arg1: memref<4000x128xf32, #tpu.memory_space<vmem>>, %arg2: memref<4000x128xf32, #tpu.memory_space<vmem>>, %arg3: memref<128x128xf32, #tpu.memory_space<vmem>>, %arg4: memref<128x128xf32, #tpu.memory_space<vmem>>, %arg5: memref<128x128xf32, #tpu.memory_space<vmem>>, %arg6: memref<128x128xf32, #tpu.memory_space<vmem>>, %arg7: memref<4000x128xf32, #tpu.memory_space<vmem>>, %arg8: memref<8x128xf32, #tpu.memory_space<vmem>>, %arg9: memref<8x128xf32, #tpu.memory_space<vmem>>) attributes {dimension_semantics = [#tpu.dimension_semantics<arbitrary>], iteration_bounds = array<i64: 80>, scalar_prefetch = 0 : i64, scratch_operands = 1 : i64, tpu.core_type = #tpu.core_type<tc>, window_params = [{transform_indices = @transform_0, window_bounds = array<i64: 4000, 128>}, {transform_indices = @transform_1, window_bounds = array<i64: 4000, 128>}, {pipeline_mode = #tpu.pipeline_mode<synchronous>, transform_indices = @transform_2, window_bounds = array<i64: 128, 128>}, {pipeline_mode = #tpu.pipeline_mode<synchronous>, transform_indices = @transform_3, window_bounds = array<i64: 128, 128>}, {pipeline_mode = #tpu.pipeline_mode<synchronous>, transform_indices = @transform_4, window_bounds = array<i64: 128, 128>}, {pipeline_mode = #tpu.pipeline_mode<synchronous>, transform_indices = @transform_5, window_bounds = array<i64: 128, 128>}, {transform_indices = @transform_6, window_bounds = array<i64: 4000, 128>}, {pipeline_mode = #tpu.pipeline_mode<synchronous>, transform_indices = @transform_7, window_bounds = array<i64: 8, 128>}]} {
    %get3A = arith.constant 0 : index
    %get3A_0 = arith.constant 0 : index
    %get3A_1 = vector.load %arg1[%get3A, %get3A_0] : memref<4000x128xf32, #tpu.memory_space<vmem>>, vector<4000x128xf32>
    %get3A_2 = arith.constant 0 : index
    %get3A_3 = arith.constant 0 : index
    %get3A_4 = vector.load %arg3[%get3A_2, %get3A_3] : memref<128x128xf32, #tpu.memory_space<vmem>>, vector<128x128xf32>
    %dot_general3A = arith.constant dense<0.000000e+00> : vector<4000x128xf32>
    %dot_general3A_5 = tpu.matmul %get3A_1, %get3A_4, %dot_general3A {dimension_numbers = #tpu.dot_dimension_numbers<[1], [1], [0], [0], [0, 0, 1, 0], [], []>, transpose_lhs_hint = false} : vector<4000x128xf32>, vector<128x128xf32>, vector<4000x128xf32> -> vector<4000x128xf32>
    %get3A_6 = arith.constant 0 : index
    %get3A_7 = arith.constant 0 : index
    %get3A_8 = vector.load %arg4[%get3A_6, %get3A_7] : memref<128x128xf32, #tpu.memory_space<vmem>>, vector<128x128xf32>
    %dot_general3A_9 = arith.constant dense<0.000000e+00> : vector<4000x128xf32>
    %dot_general3A_10 = tpu.matmul %dot_general3A_5, %get3A_8, %dot_general3A_9 {dimension_numbers = #tpu.dot_dimension_numbers<[1], [1], [0], [0], [0, 0, 1, 0], [], []>, transpose_lhs_hint = false} : vector<4000x128xf32>, vector<128x128xf32>, vector<4000x128xf32> -> vector<4000x128xf32>
    %get3A_11 = arith.constant 0 : index
    %get3A_12 = arith.constant 0 : index
    %get3A_13 = vector.load %arg2[%get3A_11, %get3A_12] : memref<4000x128xf32, #tpu.memory_space<vmem>>, vector<4000x128xf32>
    %add3A = arith.addf %dot_general3A_10, %get3A_13 : vector<4000x128xf32>
    %get3A_14 = arith.constant 0 : index
    %get3A_15 = arith.constant 0 : index
    %get3A_16 = vector.load %arg5[%get3A_14, %get3A_15] : memref<128x128xf32, #tpu.memory_space<vmem>>, vector<128x128xf32>
    %dot_general3A_17 = arith.constant dense<0.000000e+00> : vector<4000x128xf32>
    %dot_general3A_18 = tpu.matmul %add3A, %get3A_16, %dot_general3A_17 {dimension_numbers = #tpu.dot_dimension_numbers<[1], [1], [0], [0], [0, 0, 1, 0], [], []>, transpose_lhs_hint = false} : vector<4000x128xf32>, vector<128x128xf32>, vector<4000x128xf32> -> vector<4000x128xf32>
    %get3A_19 = arith.constant 0 : index
    %get3A_20 = arith.constant 0 : index
    %get3A_21 = vector.load %arg6[%get3A_19, %get3A_20] : memref<128x128xf32, #tpu.memory_space<vmem>>, vector<128x128xf32>
    %dot_general3A_22 = arith.constant dense<0.000000e+00> : vector<4000x128xf32>
    %dot_general3A_23 = tpu.matmul %dot_general3A_18, %get3A_21, %dot_general3A_22 {dimension_numbers = #tpu.dot_dimension_numbers<[1], [1], [0], [0], [0, 0, 1, 0], [], []>, transpose_lhs_hint = false} : vector<4000x128xf32>, vector<128x128xf32>, vector<4000x128xf32> -> vector<4000x128xf32>
    %swap3A = arith.constant 0 : index
    %swap3A_24 = arith.constant 0 : index
    %swap3A_25 = vector.load %arg7[%swap3A, %swap3A_24] : memref<4000x128xf32, #tpu.memory_space<vmem>>, vector<4000x128xf32>
    tpu.vector_store %arg7[%swap3A, %swap3A_24], %dot_general3A_23 {strides = array<i32>} : memref<4000x128xf32, #tpu.memory_space<vmem>>, vector<4000x128xf32>,
    %eq3A = arith.constant 0 : i32
    %eq3A_26 = arith.cmpi eq, %arg0, %eq3A : i32
    %convert_element_type3A = arith.extui %eq3A_26 : i1 to i32
    %cond3A = arith.constant 0 : i32
    %cond3A_27 = arith.cmpi ne, %convert_element_type3A, %cond3A : i32
    scf.if %cond3A_27 {
      %broadcast_in_dim3A = arith.constant 0.000000e+00 : f32
      %broadcast_in_dim3A_56 = vector.broadcast %broadcast_in_dim3A : f32 to vector<8x128xf32>
      %swap3A_57 = arith.constant 0 : index
      %swap3A_58 = arith.constant 0 : index
      %swap3A_59 = vector.load %arg9[%swap3A_57, %swap3A_58] : memref<8x128xf32, #tpu.memory_space<vmem>>, vector<8x128xf32>
      tpu.vector_store %arg9[%swap3A_57, %swap3A_58], %broadcast_in_dim3A_56 {strides = array<i32>} : memref<8x128xf32, #tpu.memory_space<vmem>>, vector<8x128xf32>,
    } else {
    }
    %get3A_28 = arith.constant 0 : index
    %get3A_29 = arith.constant 0 : index
    %get3A_30 = vector.load %arg9[%get3A_28, %get3A_29] : memref<8x128xf32, #tpu.memory_space<vmem>>, vector<1x128xf32>
    %get3A_31 = vector.shape_cast %get3A_30 : vector<1x128xf32> to vector<128xf32>
    %reduce_sum3A = arith.constant dense<0.000000e+00> : vector<128xf32>
    %reduce_sum3A_32 = vector.multi_reduction <add>, %dot_general3A_23, %reduce_sum3A [0] : vector<4000x128xf32> to vector<128xf32>
    %add3A_33 = arith.addf %get3A_31, %reduce_sum3A_32 : vector<128xf32>
    %swap3A_34 = arith.constant 0 : index
    %swap3A_35 = arith.constant 0 : index
    %swap3A_36 = vector.load %arg9[%swap3A_34, %swap3A_35] : memref<8x128xf32, #tpu.memory_space<vmem>>, vector<1x128xf32>
    %swap3A_37 = vector.shape_cast %swap3A_36 : vector<1x128xf32> to vector<128xf32>
    %swap3A_38 = vector.shape_cast %add3A_33 : vector<128xf32> to vector<1x128xf32>
    tpu.vector_store %arg9[%swap3A_34, %swap3A_35], %swap3A_38 {strides = array<i32>} : memref<8x128xf32, #tpu.memory_space<vmem>>, vector<1x128xf32>,
    %get3A_39 = arith.constant 1 : index
    %get3A_40 = arith.constant 0 : index
    %get3A_41 = vector.load %arg9[%get3A_39, %get3A_40] : memref<8x128xf32, #tpu.memory_space<vmem>>, vector<1x128xf32>
    %get3A_42 = vector.shape_cast %get3A_41 : vector<1x128xf32> to vector<128xf32>
    %mul3A = arith.mulf %dot_general3A_23, %dot_general3A_23 : vector<4000x128xf32>
    %reduce_sum3A_43 = arith.constant dense<0.000000e+00> : vector<128xf32>
    %reduce_sum3A_44 = vector.multi_reduction <add>, %mul3A, %reduce_sum3A_43 [0] : vector<4000x128xf32> to vector<128xf32>
    %add3A_45 = arith.addf %get3A_42, %reduce_sum3A_44 : vector<128xf32>
    %swap3A_46 = arith.constant 1 : index
    %swap3A_47 = arith.constant 0 : index
    %swap3A_48 = vector.load %arg9[%swap3A_46, %swap3A_47] : memref<8x128xf32, #tpu.memory_space<vmem>>, vector<1x128xf32>
    %swap3A_49 = vector.shape_cast %swap3A_48 : vector<1x128xf32> to vector<128xf32>
    %swap3A_50 = vector.shape_cast %add3A_45 : vector<128xf32> to vector<1x128xf32>
    tpu.vector_store %arg9[%swap3A_46, %swap3A_47], %swap3A_50 {strides = array<i32>} : memref<8x128xf32, #tpu.memory_space<vmem>>, vector<1x128xf32>,
    %eq3A_51 = arith.constant 79 : i32
    %eq3A_52 = arith.cmpi eq, %arg0, %eq3A_51 : i32
    %convert_element_type3A_53 = arith.extui %eq3A_52 : i1 to i32
    %cond3A_54 = arith.constant 0 : i32
    %cond3A_55 = arith.cmpi ne, %convert_element_type3A_53, %cond3A_54 : i32
    scf.if %cond3A_55 {
      %get3A_56 = arith.constant 0 : index
      %get3A_57 = arith.constant 0 : index
      %get3A_58 = vector.load %arg9[%get3A_56, %get3A_57] : memref<8x128xf32, #tpu.memory_space<vmem>>, vector<8x128xf32>
      %swap3A_59 = arith.constant 0 : index
      %swap3A_60 = arith.constant 0 : index
      %swap3A_61 = vector.load %arg8[%swap3A_59, %swap3A_60] : memref<8x128xf32, #tpu.memory_space<vmem>>, vector<8x128xf32>
      tpu.vector_store %arg8[%swap3A_59, %swap3A_60], %get3A_58 {strides = array<i32>} : memref<8x128xf32, #tpu.memory_space<vmem>>, vector<8x128xf32>,
    } else {
    }
    return
  }
  func.func @transform_0(%arg0: i32) -> (i32, i32) {
    %c0_i32 = arith.constant 0 : i32
    %c0_i32_0 = arith.constant 0 : i32
    return %arg0, %c0_i32 : i32, i32
  }
  func.func @transform_1(%arg0: i32) -> (i32, i32) {
    %c0_i32 = arith.constant 0 : i32
    %c0_i32_0 = arith.constant 0 : i32
    return %arg0, %c0_i32 : i32, i32
  }
  func.func @transform_2(%arg0: i32) -> (i32, i32) {
    %c0_i32 = arith.constant 0 : i32
    %c0_i32_0 = arith.constant 0 : i32
    %c0_i32_1 = arith.constant 0 : i32
    return %c0_i32, %c0_i32_0 : i32, i32
  }
  func.func @transform_3(%arg0: i32) -> (i32, i32) {
    %c0_i32 = arith.constant 0 : i32
    %c0_i32_0 = arith.constant 0 : i32
    %c0_i32_1 = arith.constant 0 : i32
    return %c0_i32, %c0_i32_0 : i32, i32
  }
  func.func @transform_4(%arg0: i32) -> (i32, i32) {
    %c0_i32 = arith.constant 0 : i32
    %c0_i32_0 = arith.constant 0 : i32
    %c0_i32_1 = arith.constant 0 : i32
    return %c0_i32, %c0_i32_0 : i32, i32
  }
  func.func @transform_5(%arg0: i32) -> (i32, i32) {
    %c0_i32 = arith.constant 0 : i32
    %c0_i32_0 = arith.constant 0 : i32
    %c0_i32_1 = arith.constant 0 : i32
    return %c0_i32, %c0_i32_0 : i32, i32
  }
  func.func @transform_6(%arg0: i32) -> (i32, i32) {
    %c0_i32 = arith.constant 0 : i32
    %c0_i32_0 = arith.constant 0 : i32
    return %arg0, %c0_i32 : i32, i32
  }
  func.func @transform_7(%arg0: i32) -> (i32, i32) {
    %c0_i32 = arith.constant 0 : i32
    %c0_i32_0 = arith.constant 0 : i32
    %c0_i32_1 = arith.constant 0 : i32
    return %c0_i32, %c0_i32_0 : i32, i32
  }
}

module attributes {stable_mosaic.version = 14 : i64} {
  func.func @_pass2_body(%arg0: i32, %arg1: memref<4000x128xf32, #tpu.memory_space<vmem>>, %arg2: memref<8x128xf32, #tpu.memory_space<vmem>>, %arg3: memref<1x128xf32, #tpu.memory_space<vmem>>, %arg4: memref<1x128xf32, #tpu.memory_space<vmem>>, %arg5: memref<4000x128xf32, #tpu.memory_space<vmem>>) attributes {dimension_semantics = [#tpu.dimension_semantics<arbitrary>], iteration_bounds = array<i64: 80>, scalar_prefetch = 0 : i64, scratch_operands = 0 : i64, tpu.core_type = #tpu.core_type<tc>, window_params = [{transform_indices = @transform_0, window_bounds = array<i64: 4000, 128>}, {pipeline_mode = #tpu.pipeline_mode<synchronous>, transform_indices = @transform_1, window_bounds = array<i64: 8, 128>}, {pipeline_mode = #tpu.pipeline_mode<synchronous>, transform_indices = @transform_2, window_bounds = array<i64: 1, 128>}, {pipeline_mode = #tpu.pipeline_mode<synchronous>, transform_indices = @transform_3, window_bounds = array<i64: 1, 128>}, {transform_indices = @transform_4, window_bounds = array<i64: 4000, 128>}]} {
    %get3A = arith.constant 0 : index
    %get3A_0 = arith.constant 0 : index
    %get3A_1 = vector.load %arg2[%get3A, %get3A_0] : memref<8x128xf32, #tpu.memory_space<vmem>>, vector<1x128xf32>
    %mul3A = arith.constant 3.125000e-06 : f32
    %mul3A_2 = vector.broadcast %mul3A : f32 to vector<1x128xf32>
    %mul3A_3 = arith.mulf %get3A_1, %mul3A_2 : vector<1x128xf32>
    %get3A_4 = arith.constant 1 : index
    %get3A_5 = arith.constant 0 : index
    %get3A_6 = vector.load %arg2[%get3A_4, %get3A_5] : memref<8x128xf32, #tpu.memory_space<vmem>>, vector<1x128xf32>
    %mul3A_7 = arith.constant 3.125000e-06 : f32
    %mul3A_8 = vector.broadcast %mul3A_7 : f32 to vector<1x128xf32>
    %mul3A_9 = arith.mulf %get3A_6, %mul3A_8 : vector<1x128xf32>
    %mul3A_10 = arith.mulf %mul3A_3, %mul3A_3 : vector<1x128xf32>
    %sub3A = arith.subf %mul3A_9, %mul3A_10 : vector<1x128xf32>
    %add3A = arith.constant 9.99999974E-6 : f32
    %add3A_11 = vector.broadcast %add3A : f32 to vector<1x128xf32>
    %add3A_12 = arith.addf %sub3A, %add3A_11 : vector<1x128xf32>
    %rsqrt3A = math.rsqrt %add3A_12 : vector<1x128xf32>
    %get3A_13 = arith.constant 0 : index
    %get3A_14 = arith.constant 0 : index
    %get3A_15 = vector.load %arg1[%get3A_13, %get3A_14] : memref<4000x128xf32, #tpu.memory_space<vmem>>, vector<4000x128xf32>
    %sub3A_16 = vector.broadcast %mul3A_3 : vector<1x128xf32> to vector<4000x128xf32>
    %sub3A_17 = arith.subf %get3A_15, %sub3A_16 : vector<4000x128xf32>
    %mul3A_18 = vector.broadcast %rsqrt3A : vector<1x128xf32> to vector<4000x128xf32>
    %mul3A_19 = arith.mulf %sub3A_17, %mul3A_18 : vector<4000x128xf32>
    %get3A_20 = arith.constant 0 : index
    %get3A_21 = arith.constant 0 : index
    %get3A_22 = vector.load %arg3[%get3A_20, %get3A_21] : memref<1x128xf32, #tpu.memory_space<vmem>>, vector<1x128xf32>
    %mul3A_23 = vector.broadcast %get3A_22 : vector<1x128xf32> to vector<4000x128xf32>
    %mul3A_24 = arith.mulf %mul3A_19, %mul3A_23 : vector<4000x128xf32>
    %get3A_25 = arith.constant 0 : index
    %get3A_26 = arith.constant 0 : index
    %get3A_27 = vector.load %arg4[%get3A_25, %get3A_26] : memref<1x128xf32, #tpu.memory_space<vmem>>, vector<1x128xf32>
    %add3A_28 = vector.broadcast %get3A_27 : vector<1x128xf32> to vector<4000x128xf32>
    %add3A_29 = arith.addf %mul3A_24, %add3A_28 : vector<4000x128xf32>
    %mul3A_30 = arith.constant 5.000000e-01 : f32
    %mul3A_31 = vector.broadcast %mul3A_30 : f32 to vector<4000x128xf32>
    %mul3A_32 = arith.mulf %add3A_29, %mul3A_31 : vector<4000x128xf32>
    %mul3A_33 = arith.constant 0.707106769 : f32
    %mul3A_34 = vector.broadcast %mul3A_33 : f32 to vector<4000x128xf32>
    %mul3A_35 = arith.mulf %add3A_29, %mul3A_34 : vector<4000x128xf32>
    %erf3A = math.erf %mul3A_35 : vector<4000x128xf32>
    %add3A_36 = arith.constant 1.000000e+00 : f32
    %add3A_37 = vector.broadcast %add3A_36 : f32 to vector<4000x128xf32>
    %add3A_38 = arith.addf %add3A_37, %erf3A : vector<4000x128xf32>
    %mul3A_39 = arith.mulf %mul3A_32, %add3A_38 : vector<4000x128xf32>
    %swap3A = arith.constant 0 : index
    %swap3A_40 = arith.constant 0 : index
    %swap3A_41 = vector.load %arg5[%swap3A, %swap3A_40] : memref<4000x128xf32, #tpu.memory_space<vmem>>, vector<4000x128xf32>
    tpu.vector_store %arg5[%swap3A, %swap3A_40], %mul3A_39 {strides = array<i32>} : memref<4000x128xf32, #tpu.memory_space<vmem>>, vector<4000x128xf32>,
    return
  }
  func.func @transform_0(%arg0: i32) -> (i32, i32) {
    %c0_i32 = arith.constant 0 : i32
    %c0_i32_0 = arith.constant 0 : i32
    return %arg0, %c0_i32 : i32, i32
  }
  func.func @transform_1(%arg0: i32) -> (i32, i32) {
    %c0_i32 = arith.constant 0 : i32
    %c0_i32_0 = arith.constant 0 : i32
    %c0_i32_1 = arith.constant 0 : i32
    return %c0_i32, %c0_i32_0 : i32, i32
  }
  func.func @transform_2(%arg0: i32) -> (i32, i32) {
    %c0_i32 = arith.constant 0 : i32
    %c0_i32_0 = arith.constant 0 : i32
    %c0_i32_1 = arith.constant 0 : i32
    return %c0_i32, %c0_i32_0 : i32, i32
  }
  func.func @transform_3(%arg0: i32) -> (i32, i32) {
    %c0_i32 = arith.constant 0 : i32
    %c0_i32_0 = arith.constant 0 : i32
    %c0_i32_1 = arith.constant 0 : i32
    return %c0_i32, %c0_i32_0 : i32, i32
  }
  func.func @transform_4(%arg0: i32) -> (i32, i32) {
    %c0_i32 = arith.constant 0 : i32
    %c0_i32_0 = arith.constant 0 : i32
    return %arg0, %c0_i32 : i32, i32
  }
}

</mosaic_0001>

<sc_bundles>
// kernel: kernel.5.cloned.1.call-start
scs
__scs_entry_jumppad:
0x0: {  	(pc) =	sbr.rel $0x88, $3  }
0x1: {  	(tag) =	ssettag $0x0;
	lr =	simm.s32 $0x1  }
0x2: {  	[smem:$0x3F96] =	sst lr;
	_ =	strace $0xD0000000  }
0x3: {  	_ = 	snop  }
0x4: {  	_ = 	snop  }
0x5: {  	_ = 	snop  }
0x6: {  	_ = 	snop  }
0x7: {  	_ = 	snop  }
__scs_overlays_trampoline_lowered:
0x8: {  	[smem:$0x3FA5] =	sst s0  }
0x9: {  	[smem:$0x3FA6] =	sst s1  }
0xa: {  	[smem:$0x3FA7] =	sst s2  }
0xb: {  	[smem:$0x3FA8] =	sst s3  }
0xc: {  	[smem:$0x3FA9] =	sst s4  }
0xd: {  	[smem:$0x3FAA] =	sst s5  }
0xe: {  	[smem:$0x3FAB] =	sst s6  }
0xf: {  	[smem:$0x3FAC] =	sst s7  }
0x10: {  	[smem:$0x3FAD] =	sst s8  }
0x11: {  	[smem:$0x3FAE] =	sst s9;
	s0 =	simm.s32 @!p0 $0x0  }
0x12: {  	s1 =	sld [smem:$0x3F94];
	s0 =	simm.s32 @p0 $0x1  }
0x13: {  	[smem:$0x3FAF] =	sst s0;
	s0 =	simm.s32 @!p1 $0x0  }
0x14: {  	s2 =	sld [smem:$0x3F93];
	s0 =	simm.s32 @p1 $0x1  }
0x15: {  	[smem:$0x3FB0] =	sst s0;
	s0 =	simm.s32 @!p2 $0x0  }
0x16: {  	s3 =	sld [smem:$0x3FDB];
	s0 =	simm.s32 @p2 $0x1  }
0x17: {  	s4 =	simm.s32 $0x1BF5;
	[smem:$0x3FB2] =	sst s0  }
0x18: {  	s0 =	sld [smem:$0x3F95];
	_ =	swait.ge [sflag:s4], $0x0  }
0x19: {  	s7 =	sld [smem:$0x3F96]  }
0x1a: {  	s8 =	sadd.s32 $0xFFFFE003, lr  }
0x1b: {  	s9 =	sadd.s32 $0xFFFFFEF7, lr;
	s5 =	simm.s32 $0xFFFFFFFF;
	p2 =	slt.u32 s8, $0xFFFFF086  }
0x1c: {  	p1 =	slt.u32 s9, $0xF7A;
	s5 =	simm.s32 @!p2 $0x0  }
0x1d: {  	s5 =	simm.s32 @p1 $0x1;
	p0 =	seq.s32 s7, s2  }
0x1e: {  	s7 =	smul.u32 @!p0 $0xF7A, s2;
	p2 =	seq.s32 @!p0 s5, $0x0  }
0x1f: {  	s9 =	smul.u32 $0xF7A, s1;
	s8 =	simm.s32 @!p0 $0x1BF5;
	p2 =	por !p2, p0  }
0x20: {  	[sflag:s8] =	ssyncset.s32 @!p0 $0xFFFFF086;
	s6 =	sadd.s32 @!p0 s3, s7;
	s7 =	simm.s32 @!p0 $0x108  }
0x21: {  	s3 =	sadd.s32 s3, s9;
	s6 =	sadd.s32 @!p0 $0x88, s6;
	s7 =	simm.s32 @p2 $0x1082  }
0x22: {  	[simem:s7], [sflag:s8] =	dma.local @!p0 [hbm:s6], $0xF7A  }
0x23: {  	s9 =	sor.u32 $0xD0000000, s2;
	s6 =	simm.s32 $0x108;
	_ =	swait.ge @!p0 [sflag:s8], $0x0  }
0x24: {  	s3 =	sadd.s32 $0x88, s3;
	s6 =	simm.s32 @!p1 $0x1082;
	[sflag:s4] =	ssyncset.s32 $0xFFFFF086  }
0x25: {  	[simem:s6], [sflag:s4] =	dma.local [hbm:s3], $0xF7A  }
0x26: {  	[smem:$0x3F96] =	sst s1;
	(tag) =	ssettag s2;
	_ =	strace s9  }
0x27: {  	s1 =	sld [smem:$0x3FA6]  }
0x28: {  	s2 =	sld [smem:$0x3FA7]  }
0x29: {  	s4 =	sld [smem:$0x3FA9]  }
0x2a: {  	p0 =	seq.s32 s5, $0x0;
	s5 =	sld [smem:$0x3FAA]  }
0x2b: {  	s6 =	sld [smem:$0x3FAB]  }
0x2c: {  	s7 =	sld [smem:$0x3FAC]  }
0x2d: {  	s3 =	simm.s32 $0x108;
	s8 =	sld [smem:$0x3FAD]  }
0x2e: {  	s3 =	simm.s32 @!p0 $0x1082;
	s9 =	sld [smem:$0x3FAE]  }
0x2f: {  	lr =	sadd.s32 s0, s3;
	s0 =	sld [smem:$0x3FA5]  }
0x30: {  	s3 =	sld [smem:$0x3FA8]  }
0x31: {  	[smem:$0x3FB1] =	sst s10  }
0x32: {  	s10 =	sld [smem:$0x3FAF];
	_ =	sdelay $0x3  }
0x33: {  	p0 =	seq.s32 s10, $0x1;
	s10 =	sld [smem:$0x3FB1];
	_ =	sdelay $0x3  }
0x34: {  	[smem:$0x3FB1] =	sst s10  }
0x35: {  	s10 =	sld [smem:$0x3FB0];
	_ =	sdelay $0x3  }
0x36: {  	p1 =	seq.s32 s10, $0x1;
	s10 =	sld [smem:$0x3FB1];
	_ =	sdelay $0x3  }
0x37: {  	[smem:$0x3FB1] =	sst s10  }
0x38: {  	s10 =	sld [smem:$0x3FB2]  }
0x39: {  	_ = 	snop;
	(pc) =	sbr.ind lr, $3  }
0x3a: {  	_ = 	snop  }
0x3b: {  	_ = 	snop  }
0x3c: {  	p2 =	seq.s32 s10, $0x1;
	s10 =	sld [smem:$0x3FB1]  }
0x3d: {  	_ =	shalt  }
0x3e: {  	_ =	shalt  }
0x3f: {  	_ =	shalt  }
0x40: {  	_ =	shalt  }
0x41: {  	_ =	shalt  }
0x42: {  	_ =	shalt  }
0x43: {  	_ =	shalt  }
0x44: {  	_ =	shalt  }
0x45: {  	_ =	shalt  }
0x46: {  	_ =	shalt  }
0x47: {  	_ =	shalt  }
0x48: {  	_ =	shalt  }
0x49: {  	_ =	shalt  }
0x4a: {  	_ =	shalt  }
0x4b: {  	_ =	shalt  }
0x4c: {  	_ =	shalt  }
0x4d: {  	_ =	shalt  }
0x4e: {  	_ =	shalt  }
0x4f: {  	_ =	shalt  }
0x50: {  	_ =	shalt  }
0x51: {  	_ =	shalt  }
0x52: {  	_ =	shalt  }
0x53: {  	_ =	shalt  }
0x54: {  	_ =	shalt  }
0x55: {  	_ =	shalt  }
0x56: {  	_ =	shalt  }
0x57: {  	_ =	shalt  }
0x58: {  	_ =	shalt  }
0x59: {  	_ =	shalt  }
0x5a: {  	_ =	shalt  }
0x5b: {  	_ =	shalt  }
0x5c: {  	_ =	shalt  }
0x5d: {  	_ =	shalt  }
0x5e: {  	_ =	shalt  }
0x5f: {  	_ =	shalt  }
0x60: {  	_ =	shalt  }
0x61: {  	_ =	shalt  }
0x62: {  	_ =	shalt  }
0x63: {  	_ =	shalt  }
0x64: {  	_ =	shalt  }
0x65: {  	_ =	shalt  }
0x66: {  	_ =	shalt  }
0x67: {  	_ =	shalt  }
0x68: {  	_ =	shalt  }
0x69: {  	_ =	shalt  }
0x6a: {  	_ =	shalt  }
0x6b: {  	_ =	shalt  }
0x6c: {  	_ =	shalt  }
0x6d: {  	_ =	shalt  }
0x6e: {  	_ =	shalt  }
0x6f: {  	_ =	shalt  }
0x70: {  	_ =	shalt  }
0x71: {  	_ =	shalt  }
0x72: {  	_ =	shalt  }
0x73: {  	_ =	shalt  }
0x74: {  	_ =	shalt  }
0x75: {  	_ =	shalt  }
0x76: {  	_ =	shalt  }
0x77: {  	_ =	shalt  }
0x78: {  	_ =	shalt  }
0x79: {  	_ =	shalt  }
0x7a: {  	_ =	shalt  }
0x7b: {  	_ =	shalt  }
0x7c: {  	_ =	shalt  }
0x7d: {  	_ =	shalt  }
0x7e: {  	_ =	shalt  }
0x7f: {  	_ =	shalt  }
0x80: {  	_ =	shalt  }
0x81: {  	_ =	shalt  }
0x82: {  	_ =	shalt  }
0x83: {  	_ =	shalt  }
0x84: {  	_ =	shalt  }
0x85: {  	_ =	shalt  }
0x86: {  	_ =	shalt  }
0x87: {  	_ =	shalt  }
.Lfunc_end0:
.L_simem_size_0:
called_computation_lowered:
.L_overlay_start_0:
0x88: {  	s2 =	sld [smem:$0x3FD9]  }
0x89: {  	s3 =	sld [smem:$0x3FFE];
	_ =	sdelay $0x1  }
0x8a: {  	s1 =	srdreg.scid  }
0x8b: {  	s0 =	sand.u32 $0x1, s1  }
0x8c: {  	s17 =	sshll.u32 s0, $0xA;
	s2 =	sadd.s32 s3, s2  }
0x8d: {  	s2 =	sadd.s32 s2, s17  }
0x8e: {  	[smem:$0x3FBD] =	sst s2  }
0x8f: {  	_ = 	snop  }
0x90: {  	s2 =	sld [smem:$0x3FC8]  }
0x91: {  	s18 =	sld [smem:$0x3FC7]  }
0x92: {  	s4 =	sld [smem:$0x3FD0];
	(tm) =	ssettm $0x1  }
0x93: {  	s5 =	sld [smem:$0x3FFB];
	_ =	sdelay $0x3  }
0x94: {  	_ =	strace s5  }
0x95: {  	s5 =	sld [smem:$0x3FFC];
	_ =	sdelay $0x3  }
0x96: {  	_ =	strace s5  }
0x97: {  	s5 =	sld [smem:$0x3FFD];
	_ =	sdelay $0x3  }
0x98: {  	_ =	strace s5  }
0x99: {  	_ =	strace $0x8FFFFFFF  }
0x9a: {  	s19 =	sld [smem:$0x3FDB];
	_ =	sdelay $0x1  }
0x9b: {  	s6 =	simm.s32 $_scs_section_size  }
0x9c: {  	s7 =	simm.s32 $_size__tile_overlayer_lowered;
	s8 =	simm.s32 $_tile_overlayer_lowered  }
0x9d: {  	s22 =	simm.s32 $0x1BFF;
	s21 =	sshll.u32 s8, $0x1;
	s5 =	sadd.s32 s6, s19  }
0x9e: {  	s9 =	simm.s32 $0x0;
	s20 =	sshll.u32 s7, $0x1;
	s7 =	sadd.s32 s21, s5  }
0x9f: {  	[timem:s9], [sflag:s22] =	dma.local [hbm:s7], s20  }
0xa0: {  	_ =	swait.ge [sflag:s22], s20  }
0xa1: {  	s6 =	ssub.s32 $0x0, s20;
	[sflag:s22] =	ssyncset.done $0x0  }
0xa2: {  	[sflag:s22] =	ssyncadd.s32 s6;
	_ =	sdelay $0x1  }
0xa3: {  	s23 =	simm.s32 $0x1B8B  }
0xa4: {  	_ =	swait.ge [sflag:s23], $0x1  }
0xa5: {  	[sflag:s23] =	ssyncset.done $0x0  }
0xa6: {  	s25 =	simm.s32 $0x1B8E;
	s24 =	sld [smem:$0x3FFE];
	[sflag:s23] =	ssyncadd.s32 $0xFFFFFFFF  }
0xa7: {  	s26 =	simm.s32 $execute0_lowered;
	[smem:$0x3FD2] =	sst s25  }
0xa8: {  	s7 =	sshll.u32 s26, $0x1;
	_ =	strace $0x80000046;
	[dreg:$0x1] =	wrdreg $0xFFFFFFFF  }
0xa9: {  	s28 =	simm.s32 $_size_execute0_lowered;
	s5 =	sadd.s32 s5, s7;
	[dreg:$0x0] =	wrdreg $0x0  }
0xaa: {  	s7 =	sshll.u32 s28, $0x1;
	[dreg:$0x2] =	wrdreg s5  }
0xab: {  	[dreg:$0x3] =	wrdreg s7  }
0xac: {  	[dreg:$0x4] =	wrdreg $0xC0  }
0xad: {  	_ =	task [dreg:s9], $0x5FFFF  }
0xae: {  	[dreg:$0x1] =	wrdreg $0xFFFFFFFF  }
0xaf: {  	[dreg:$0x0] =	wrdreg $0x60  }
0xb0: {  	[dreg:$0x2] =	wrdreg s2  }
0xb1: {  	[dreg:$0x3] =	wrdreg s18  }
0xb2: {  	[dreg:$0x4] =	wrdreg s4  }
0xb3: {  	[dreg:$0x5] =	wrdreg s24  }
0xb4: {  	[dreg:$0x6] =	wrdreg $0x41800  }
0xb5: {  	[dreg:$0x7] =	wrdreg $0x9  }
0xb6: {  	_ =	task.clear_ibuf [dreg:s9], $0x8FFFF;
	_ =	strace $0x90000046  }
0xb7: {  	s29 =	simm.s32 $0x9;
	_ =	strace $0x80000048  }
0xb8: {  	_ =	swait.ge [sflag:s29], $0x1  }
0xb9: {  	[sflag:s29] =	ssyncadd.s32 $0xFFFFFFFF  }
0xba: {  	_ =	strace $0x90000048  }
0xbb: {  	_ =	sfence  }
0xbc: {  	s30 =	sld [smem:$0x0];
	_ =	sdelay $0x2  }
0xbd: {  	s31 =	sshll.u32 s1, $0xD;
	s1 =	sshrl.u32 s1, $0x2  }
0xbe: {  	s3 =	sand.u32 $0x4000, s31;
	s1 =	sadd.s32 s1, s30  }
0xbf: {  	s0 =	sor.u32 s3, s0;
	s1 =	sshll.u32 s1, $0x11  }
0xc0: {  	s0 =	sor.u32 s1, s0  }
0xc1: {  	s0 =	sadd.s32 $0x8F2B, s0  }
0xc2: {  	[sflag:s0] =	ssyncadd.remote.s32 $0x1  }
0xc3: {  	_ =	sfence.sel $0xFFFF  }
0xc4: {  	[dreg:$0x0] =	wrdreg $0xFFFFFFFF;
	(pc) =	sbr.abs _section_cstart, $3  }
0xc5: {  	[dreg:$0x1] =	wrdreg $0xFFFFFFFF  }
0xc6: {  	_ =	task.clear_ibuf [dreg:s9], $0x2FFFF;
	_ =	strace $0x9FFFFFFF  }
0xc7: {  	(tm) =	ssettm $0x7FFFFFFF  }
tec
execute0_lowered:
.L_overlay_start_1:
0x0: {  	(tag) =	ssettag $0x1  }
0x1: {  	s1 =	rddreg [dreg:$0x0]  }
0x2: {  	s2 =	rddreg [dreg:$0x1]  }
0x3: {  	s15 =	rddreg [dreg:$0x2]  }
0x4: {  	s3 =	srdreg.scid;
	s9 =	rddreg [dreg:$0x3]  }
0x5: {  	s0 =	stileid.u32;
	s6 =	rddreg [dreg:$0x4]  }
0x6: {  	s7 =	simm.s32 $0x0;
	s19 =	simm.s32 $0x180;
	s5 =	smul.u32 $0x300, s0  }
0x7: {  	s20 =	simm.s32 $0x1;
	s21 =	simm.s32 $0x100;
	s10 =	smul.u32 $0x640, s0  }
0x8: {  	s4 =	sand.u32 $0x1, s3;
	[smem:$0x7FF] =	sst s7;
	s28 =	smul.u32 $0x60000, s0  }
0x9: {  	s17 =	sshll.u32 s0, $0x6;
	s3 =	simm.s32 $0x0;
	s8 =	smul.u32 $0x3000, s4  }
0xa: {  	_ =	strace $0x80000047;
	s11 =	ssub.s32 $0x2, s4;
	s13 =	sadd.s32 s10, s9  }
0xb: {  	s12 =	sshrl.u32 s11, $0x1;
	s10 =	sshrl.u32 s28, $0x2;
	s8 =	sadd.s32 s5, s8  }
0xc: {  	s11 =	ssub.s32 s11, s12;
	s18 =	sadd.s32 s10, s6;
	s10 =	sor.u32 $0x1C02, s17  }
0xd: {  	s12 =	sadd.s32 $0x10E00, s13;
	s13 =	sadd.s32 $0x200, s13;
	s17 =	simm.s32 $0x2  }
0xe: {  	s16 =	sshrl.u32 s8, $0x3;
	s8 =	sadd.s32 $0x17200, s9;
	s29 =	smax.u32 s11, $0x1  }
0xf: {  	s14 =	sadd.s32 s16, s9;
	[dreg:$0x6] =	wrdreg s29;
	s31 =	sadd.s32 s16, s15  }
0x10: {  	s9 =	sadd.s32 $0x1A200, s9;
	s30 =	sadd.s32 $0x6600, s14;
	[dreg:$0x8] =	wrdreg s31  }
0x11: {  	v0 =	vlaneseq.u32;
	s16 =	sshrl.u32 s18, $0x3;
	s18 =	simm.s32 $0x80;
	[dreg:$0x7] =	wrdreg s30  }
.LBB2_1:
0x12: {  	[dreg:$0x9] =	wrdreg s3  }
0x13: {  	s23 =	rddreg [dreg:$0x8]  }
0x14: {  	s24 =	rddreg [dreg:$0x7];
	s25 =	simm.s32 $0x0  }
.LBB2_2:
0x15: {  	s26 =	sshll.u32 s25, $0x1  }
0x16: {  	[spmem:s16], [sflag:s10] =	dma.local [hbm:s8], $0x3000  }
0x17: {  	s26 =	sor.u32 s4, s26  }
0x18: {  	_ =	swait.ge [sflag:s17], $0x3000;
	s26 =	smul.u32 $0x3000, s26  }
0x19: {  	[sflag:s17] =	ssyncset.done $0x0  }
0x1a: {  	[sflag:s17] =	ssyncadd.s32 $0xFFFFD000;
	s28 =	sadd.s32 $0x3000, s26  }
0x1b: {  	[bflag:$0x0] =	sbarrier.arrive $0xFFFF;
	v2 =	vmov s28;
	s28 =	sadd.s32 $0x0, s13  }
0x1c: {  	[tilespmem:s7], [sflag:$0x2] =	stream.linear.gather [hbm4b:s28+s7], $0x80, $0x38;
	[tilespmem:$0x1C200] =	vst v63  }
0x1d: {  	_ =	swait.ge [sflag:s17], $0x80  }
0x1e: {  	[sflag:s17] =	ssyncset.done $0x0  }
0x1f: {  	s28 =	sadd.s32 $0x0, s12;
	[sflag:s17] =	ssyncadd.s32 $0xFFFFFF80  }
0x20: {  	[tilespmem:s18], [sflag:$0x2] =	stream.linear.gather [hbm4b:s28+s7], $0x80, $0x38;
	[tilespmem:$0x1C200] =	vst v63  }
0x21: {  	_ =	swait.ge [sflag:s17], $0x80  }
0x22: {  	[sflag:s17] =	ssyncset.done $0x0  }
0x23: {  	[sflag:s17] =	ssyncadd.s32 $0xFFFFFF80  }
0x24: {  	v3 =	vld [tilespmem:$0xF0]  }
0x25: {  	v4 =	vld [tilespmem:$0xE0]  }
0x26: {  	v5 =	vld [tilespmem:$0x90]  }
0x27: {  	v8 =	vld [tilespmem:$0xB0]  }
0x28: {  	v10 =	vld [tilespmem:$0xC0]  }
0x29: {  	v1 =	vmov s26;
	v6 =	vld [tilespmem:$0x80]  }
0x2a: {  	vm0 =	vge.s32 v3, v1;
	vm1 =	vlt.s32 v3, v2;
	v9 =	vsub.s32 v3, v1  }
0x2b: {  	v7 =	vld [tilespmem:$0xA0];
	vm2 =	vge.s32 v4, v1;
	vm3 =	vlt.s32 v4, v2;
	v4 =	vsub.s32 v4, v1  }
0x2c: {  	v11 =	vsub.s32 v5, v1;
	vm4 =	vlt.s32 v5, v2;
	vm5 =	vlt.s32 v8, v2  }
0x2d: {  	vm6 =	vge.s32 v10, v1;
	vm7 =	vlt.s32 v10, v2;
	vm2 =	vmand vm2, vm3  }
0x2e: {  	vm0 =	vmand vm0, vm1;
	vm1 =	vlt.s32 v6, v2;
	vm3 =	vge.s32 v5, v1  }
0x2f: {  	v3 =	vld [tilespmem:$0xD0];
	v5 =	vsub.s32 v10, v1;
	v12 =	vnsel vm2, $0x3000, v4;
	vm2 =	vge.s32 v6, v1  }
0x30: {  	v6 =	vsub.s32 v6, v1;
	v4 =	vsub.s32 v7, v1;
	v9 =	vnsel vm0, $0x3000, v9  }
0x31: {  	vm0 =	vge.s32 v7, v1;
	vm1 =	vmand vm2, vm1;
	vm2 =	vmand vm3, vm4;
	[tilespmem:$0x160] =	vst v12  }
0x32: {  	vm3 =	vge.s32 v8, v1;
	[tilespmem:$0x170] =	vst v9;
	v6 =	vnsel vm1, $0x3000, v6;
	v63 =	vnsel vm2, $0x3000, v11  }
0x33: {  	vm2 =	vlt.s32 v7, v2;
	vm5 =	vmand vm3, vm5;
	vm3 =	vmand vm6, vm7;
	[tilespmem:$0x100] =	vst v6  }
0x34: {  	s28 =	simm.s32 $0x10;
	vm1 =	vge.s32 v3, v1;
	v6 =	vsub.s32 v8, v1;
	vm4 =	vlt.s32 v3, v2;
	[tilespmem:$0x110] =	vst v63  }
.LBB2_3:
0x35: {  	p0 =	seq.s32 s28, $0x630;
	v6 =	vnsel vm5, $0x3000, v6;
	vm1 =	vmand vm1, vm4;
	v3 =	vsub.s32 v3, v1;
	s29 =	smov.u32 s28;
	s28 =	sadd.s32 $0x10, s28  }
0x36: {  	[tilespmem:$0x130] =	vst v6;
	v3 =	vnsel vm1, $0x3000, v3  }
0x37: {  	vm0 =	vmand vm0, vm2;
	v5 =	vnsel vm3, $0x3000, v5;
	[tilespmem:$0x150] =	vst v3  }
0x38: {  	v3 =	vnsel vm0, $0x3000, v4;
	[tilespmem:$0x140] =	vst v5  }
0x39: {  	[tilespmem:$0x120] =	vst v3  }
0x3a: {  	[tilespmem:s19], [sflag:$0x1] =	stream.indirect.gather [hbm4b:s2+s18], $0x80, s7, s18, $0xb8;
	[tilespmem:$0x1C200] =	vst v63  }
0x3b: {  	_ =	swait.ge [sflag:s20], $0x4000  }
0x3c: {  	[sflag:s20] =	ssyncset.done $0x0  }
0x3d: {  	[sflag:s20] =	ssyncadd.s32 $0xFFFFC000  }
0x3e: {  	[spmem:s6] =	stream.indirect.scatter.add.f32 [tilespmem:s19], [sflag:$0x2], $0x80, s21, s18, $0xb8;
	[tilespmem:$0x1C200] =	vst v63  }
0x3f: {  	_ =	swait.ge [sflag:s17], $0x4000  }
0x40: {  	[sflag:s17] =	ssyncset.done $0x0  }
0x41: {  	s30 =	sadd.s32 s29, s13;
	[sflag:s17] =	ssyncadd.s32 $0xFFFFC000  }
0x42: {  	[tilespmem:s7], [sflag:$0x2] =	stream.linear.gather [hbm4b:s30+s7], $0x80, $0x38;
	[tilespmem:$0x1C200] =	vst v63  }
0x43: {  	_ =	swait.ge [sflag:s17], $0x80  }
0x44: {  	[sflag:s17] =	ssyncset.done $0x0  }
0x45: {  	s29 =	sadd.s32 s29, s12;
	[sflag:s17] =	ssyncadd.s32 $0xFFFFFF80  }
0x46: {  	[tilespmem:s18], [sflag:$0x2] =	stream.linear.gather [hbm4b:s29+s7], $0x80, $0x38;
	[tilespmem:$0x1C200] =	vst v63  }
0x47: {  	_ =	swait.ge [sflag:s17], $0x80  }
0x48: {  	[sflag:s17] =	ssyncset.done $0x0  }
0x49: {  	[sflag:s17] =	ssyncadd.s32 $0xFFFFFF80  }
0x4a: {  	v3 =	vld [tilespmem:$0xF0]  }
0x4b: {  	v4 =	vld [tilespmem:$0xE0]  }
0x4c: {  	v5 =	vld [tilespmem:$0x90]  }
0x4d: {  	v6 =	vld [tilespmem:$0x80]  }
0x4e: {  	v7 =	vld [tilespmem:$0xA0]  }
0x4f: {  	v8 =	vld [tilespmem:$0xB0];
	vm0 =	vge.s32 v3, v1;
	vm1 =	vlt.s32 v3, v2;
	v9 =	vsub.s32 v3, v1  }
0x50: {  	v10 =	vld [tilespmem:$0xC0];
	vm2 =	vge.s32 v4, v1;
	vm3 =	vlt.s32 v4, v2;
	v4 =	vsub.s32 v4, v1  }
0x51: {  	vm0 =	vmand vm0, vm1;
	v11 =	vsub.s32 v5, v1;
	v3 =	vld [tilespmem:$0xD0];
	vm2 =	vmand vm2, vm3  }
0x52: {  	vm3 =	vge.s32 v5, v1;
	vm1 =	vlt.s32 v6, v2;
	v4 =	vnsel vm2, $0x3000, v4  }
0x53: {  	vm4 =	vlt.s32 v5, v2;
	vm2 =	vge.s32 v6, v1;
	v6 =	vsub.s32 v6, v1;
	[tilespmem:$0x160] =	vst v4  }
0x54: {  	v9 =	vnsel vm0, $0x3000, v9;
	vm1 =	vmand vm2, vm1;
	v4 =	vsub.s32 v7, v1  }
.Ltmp0:
0x55: {  	vm2 =	vmand vm3, vm4;
	v6 =	vnsel vm1, $0x3000, v6;
	v5 =	vsub.s32 v10, v1;
	[tilespmem:$0x170] =	vst v9;
	(pc) =	sbr.rel @!p0 .LBB2_3-.Ltmp0, $4  }
0x56: {  	vm0 =	vge.s32 v7, v1;
	vm3 =	vge.s32 v8, v1;
	[tilespmem:$0x100] =	vst v6;
	vm1 =	vge.s32 v3, v1  }
0x57: {  	vm5 =	vlt.s32 v8, v2;
	vm6 =	vge.s32 v10, v1;
	v6 =	vnsel vm2, $0x3000, v11  }
0x58: {  	vm7 =	vlt.s32 v10, v2;
	vm4 =	vlt.s32 v3, v2;
	[tilespmem:$0x110] =	vst v6;
	v6 =	vsub.s32 v8, v1  }
0x59: {  	vm5 =	vmand vm3, vm5;
	vm2 =	vlt.s32 v7, v2;
	vm3 =	vmand vm6, vm7  }
0x5a: {  	v2 =	vnsel vm5, $0x3000, v6;
	vm1 =	vmand vm1, vm4;
	v1 =	vsub.s32 v3, v1  }
0x5b: {  	[tilespmem:$0x130] =	vst v2;
	v1 =	vnsel vm1, $0x3000, v1  }
0x5c: {  	vm0 =	vmand vm0, vm2;
	v2 =	vnsel vm3, $0x3000, v5;
	[tilespmem:$0x150] =	vst v1  }
0x5d: {  	v1 =	vnsel vm0, $0x3000, v4;
	[tilespmem:$0x140] =	vst v2  }
0x5e: {  	[tilespmem:$0x120] =	vst v1  }
0x5f: {  	[tilespmem:s19], [sflag:$0x1] =	stream.indirect.gather [hbm4b:s2+s18], $0x80, s7, s18, $0xb8;
	[tilespmem:$0x1C200] =	vst v63  }
0x60: {  	_ =	swait.ge [sflag:s20], $0x4000  }
0x61: {  	[sflag:s20] =	ssyncset.done $0x0  }
0x62: {  	[sflag:s20] =	ssyncadd.s32 $0xFFFFC000  }
0x63: {  	[spmem:s6] =	stream.indirect.scatter.add.f32 [tilespmem:s19], [sflag:$0x2], $0x80, s21, s18, $0xb8;
	[tilespmem:$0x1C200] =	vst v63  }
0x64: {  	_ =	swait.ge [sflag:s17], $0x4000  }
0x65: {  	[sflag:s17] =	ssyncset.done $0x0  }
0x66: {  	[sflag:s17] =	ssyncadd.s32 $0xFFFFC000  }
0x67: {  	[tilespmem:s7], [sflag:$0x2] =	stream.linear.gather [hbm4b:s23+s7], $0x80, $0x38;
	[tilespmem:$0x1C200] =	vst v63  }
0x68: {  	_ =	swait.ge [sflag:s17], $0x80  }
0x69: {  	[sflag:s17] =	ssyncset.done $0x0  }
0x6a: {  	[sflag:s17] =	ssyncadd.s32 $0xFFFFFF80  }
0x6b: {  	[tilespmem:s18], [sflag:$0x2] =	stream.linear.gather [hbm4b:s24+s7], $0x80, $0x38;
	[tilespmem:$0x1C200] =	vst v63  }
0x6c: {  	s28 =	sadd.s32 $0x0, s5;
	_ =	swait.ge [sflag:s17], $0x80  }
0x6d: {  	s29 =	sadd.s32 $0x70, s28;
	[sflag:s17] =	ssyncset.done $0x0  }
0x6e: {  	s30 =	sadd.s32 $0x60, s28;
	v1 =	vor.u32 s29, v0;
	[sflag:s17] =	ssyncadd.s32 $0xFFFFFF80  }
0x6f: {  	v2 =	vor.u32 s30, v0;
	s29 =	sadd.s32 $0x50, s28;
	[tilespmem:$0x170] =	vst v1  }
0x70: {  	s30 =	sadd.s32 $0x40, s28;
	v1 =	vor.u32 s29, v0;
	[tilespmem:$0x160] =	vst v2  }
0x71: {  	s29 =	sadd.s32 $0x30, s28;
	v2 =	vor.u32 s30, v0;
	[tilespmem:$0x150] =	vst v1  }
0x72: {  	s30 =	sadd.s32 $0x20, s28;
	v1 =	vor.u32 s29, v0;
	[tilespmem:$0x140] =	vst v2  }
0x73: {  	v2 =	vor.u32 s30, v0;
	[tilespmem:$0x130] =	vst v1  }
0x74: {  	s29 =	sadd.s32 $0x10, s28;
	v1 =	vor.u32 s28, v0;
	[tilespmem:$0x120] =	vst v2  }
0x75: {  	v2 =	vor.u32 s29, v0;
	[tilespmem:$0x100] =	vst v1  }
0x76: {  	[tilespmem:$0x110] =	vst v2  }
0x77: {  	[tilespmem:s19], [sflag:$0x1] =	stream.indirect.gather [hbm4b:s1+s18], $0x80, s7, s18, $0xb8;
	[tilespmem:$0x1C200] =	vst v63  }
0x78: {  	_ =	swait.ge [sflag:s20], $0x4000  }
0x79: {  	[sflag:s20] =	ssyncset.done $0x0  }
0x7a: {  	[sflag:s20] =	ssyncadd.s32 $0xFFFFC000  }
0x7b: {  	[spmem:s6] =	stream.indirect.scatter.add.f32 [tilespmem:s19], [sflag:$0x2], $0x80, s21, s18, $0xb8;
	[tilespmem:$0x1C200] =	vst v63  }
0x7c: {  	_ =	swait.ge [sflag:s17], $0x4000  }
0x7d: {  	s26 =	sadd.s32 s5, s26;
	s30 =	sadd.s32 $0x10, s23;
	[sflag:s17] =	ssyncset.done $0x0  }
0x7e: {  	s28 =	simm.s32 $0x80;
	s29 =	sadd.s32 $0x10, s24;
	[sflag:s17] =	ssyncadd.s32 $0xFFFFC000  }
.LBB2_5:
0x7f: {  	[tilespmem:s19], [sflag:$0x1] =	stream.indirect.gather [hbm4b:s1+s18], $0x80, s18, s18, $0xb8;
	[tilespmem:$0x1C200] =	vst v63  }
0x80: {  	s31 =	smov.u32 s28  }
0x81: {  	p0 =	sne.s32 s28, $0x280;
	s28 =	sadd.s32 $0x80, s28;
	_ =	swait.ge [sflag:s20], $0x4000  }
0x82: {  	[sflag:s20] =	ssyncset.done $0x0  }
0x83: {  	[sflag:s20] =	ssyncadd.s32 $0xFFFFC000  }
0x84: {  	[spmem:s6] =	stream.indirect.scatter.add.f32 [tilespmem:s19], [sflag:$0x2], $0x80, s21, s18, $0xb8;
	[tilespmem:$0x1C200] =	vst v63  }
0x85: {  	_ =	swait.ge [sflag:s17], $0x4000  }
0x86: {  	[sflag:s17] =	ssyncset.done $0x0  }
0x87: {  	[sflag:s17] =	ssyncadd.s32 $0xFFFFC000  }
0x88: {  	[tilespmem:s7], [sflag:$0x2] =	stream.linear.gather [hbm4b:s30+s7], $0x80, $0x38;
	[tilespmem:$0x1C200] =	vst v63  }
0x89: {  	_ =	swait.ge [sflag:s17], $0x80  }
0x8a: {  	[sflag:s17] =	ssyncset.done $0x0  }
0x8b: {  	[sflag:s17] =	ssyncadd.s32 $0xFFFFFF80  }
0x8c: {  	[tilespmem:s18], [sflag:$0x2] =	stream.linear.gather [hbm4b:s29+s7], $0x80, $0x38;
	[tilespmem:$0x1C200] =	vst v63  }
0x8d: {  	s31 =	sadd.s32 s31, s5;
	_ =	swait.ge [sflag:s17], $0x80  }
0x8e: {  	s3 =	sadd.s32 $0x60, s31;
	s0 =	sadd.s32 $0x70, s31;
	[sflag:s17] =	ssyncset.done $0x0  }
0x8f: {  	s11 =	sadd.s32 $0x40, s31;
	s14 =	sadd.s32 $0x50, s31;
	v1 =	vor.u32 s0, v0;
	[sflag:s17] =	ssyncadd.s32 $0xFFFFFF80  }
0x90: {  	s15 =	sadd.s32 $0x20, s31;
	s22 =	sadd.s32 $0x30, s31;
	s0 =	sadd.s32 $0x10, s31;
	v2 =	vor.u32 s3, v0;
	[tilespmem:$0x170] =	vst v1  }
0x91: {  	v1 =	vor.u32 s14, v0;
	[tilespmem:$0x160] =	vst v2  }
0x92: {  	v2 =	vor.u32 s11, v0;
	[tilespmem:$0x150] =	vst v1  }
0x93: {  	v1 =	vor.u32 s22, v0;
	[tilespmem:$0x140] =	vst v2  }
0x94: {  	v2 =	vor.u32 s15, v0;
	[tilespmem:$0x130] =	vst v1  }
0x95: {  	v3 =	vor.u32 s0, v0;
	v1 =	vor.u32 s31, v0;
	[tilespmem:$0x120] =	vst v2  }
0x96: {  	[tilespmem:$0x100] =	vst v1  }
0x97: {  	[tilespmem:$0x110] =	vst v3  }
0x98: {  	[tilespmem:s19], [sflag:$0x1] =	stream.indirect.gather [hbm4b:s1+s18], $0x80, s7, s18, $0xb8;
	[tilespmem:$0x1C200] =	vst v63  }
0x99: {  	_ =	swait.ge [sflag:s20], $0x4000  }
0x9a: {  	[sflag:s20] =	ssyncset.done $0x0  }
.Ltmp1:
0x9b: {  	[sflag:s20] =	ssyncadd.s32 $0xFFFFC000;
	(pc) =	sbr.rel @p0 .LBB2_5-.Ltmp1, $4  }
0x9c: {  	[spmem:s6] =	stream.indirect.scatter.add.f32 [tilespmem:s19], [sflag:$0x2], $0x80, s21, s18, $0xb8;
	[tilespmem:$0x1C200] =	vst v63  }
0x9d: {  	_ =	swait.ge [sflag:s17], $0x4000  }
0x9e: {  	[sflag:s17] =	ssyncset.done $0x0  }
0x9f: {  	s30 =	sadd.s32 $0x10, s30;
	s29 =	sadd.s32 $0x10, s29;
	[sflag:s17] =	ssyncadd.s32 $0xFFFFC000  }
0xa0: {  	[tilespmem:s19], [sflag:$0x1] =	stream.indirect.gather [hbm4b:s1+s18], $0x80, s18, s18, $0xb8;
	[tilespmem:$0x1C200] =	vst v63  }
0xa1: {  	_ =	swait.ge [sflag:s20], $0x4000  }
0xa2: {  	[sflag:s20] =	ssyncset.done $0x0  }
0xa3: {  	[sflag:s20] =	ssyncadd.s32 $0xFFFFC000  }
0xa4: {  	[spmem:s6] =	stream.indirect.scatter.add.f32 [tilespmem:s19], [sflag:$0x2], $0x80, s21, s18, $0xb8;
	[tilespmem:$0x1C200] =	vst v63  }
0xa5: {  	_ =	swait.ge [sflag:s17], $0x4000  }
0xa6: {  	[sflag:s17] =	ssyncset.done $0x0  }
0xa7: {  	s0 =	sshll.u32 s26, $0x4;
	s25 =	sadd.s32 $0x1, s25;
	[sflag:s17] =	ssyncadd.s32 $0xFFFFC000  }
0xa8: {  	s0 =	sadd.s32 s9, s0;
	p0 =	sne.s32 s25, $0xE;
	[bflag:$0x0] =	sbarrier.arrive $0xFFFF  }
0xa9: {  	[hbm:s0], [sflag:s10] =	dma.local [spmem:s16], $0x3000  }
.Ltmp2:
0xaa: {  	_ =	swait.ge [sflag:s17], $0x3000;
	(pc) =	sbr.rel @p0 .LBB2_2-.Ltmp2, $4  }
0xab: {  	[sflag:s17] =	ssyncset.done $0x0  }
0xac: {  	[sflag:s17] =	ssyncadd.s32 $0xFFFFD000  }
0xad: {  	[bflag:$0x0] =	sbarrier.arrive $0xFFFF  }
0xae: {  	s24 =	sadd.s32 $0xC00, s24;
	s23 =	sadd.s32 $0xC00, s23  }
0xaf: {  	s3 =	rddreg [dreg:$0x9]  }
0xb0: {  	s0 =	rddreg [dreg:$0x6];
	s3 =	sadd.s32 $0x1, s3  }
0xb1: {  	p0 =	sne.s32 s3, s0  }
.Ltmp3:
0xb2: {  	_ = 	snop;
	(pc) =	sbr.rel @p0 .LBB2_1-.Ltmp3, $1  }
0xb3: {  	_ =	sdelay $0x3  }
0xb4: {  	_ =	sfence.sel $0x180000  }
0xb5: {  	[bflag:$0x0] =	sbarrier.arrive $0xFFFF  }
0xb6: {  	_ =	strace $0x90000047  }
0xb7: {  	s0 =	stileid.u32;
	[bflag:$0x2] =	sbarrier.arrive $0xFFFF  }
0xb8: {  	p0 =	sne.s32 s0, $0x0;
	s0 =	rddreg [dreg:$0x5]  }
0xb9: {  	s0 =	sadd.s32 @!p0 $0x100000, s0  }
0xba: {  	[sflag:s0] =	ssyncadd.tile.s32 @!p0 $0x1;
	_ =	shalt  }
.Lfunc_end2:
_tile_overlayer_lowered:
.L_overlay_start_2:
0xbb: {  	(tag) =	ssettag $0x2  }
0xbc: {  	s0 =	rddreg [dreg:$0x0];
	s2 =	stileid.u32  }
0xbd: {  	s1 =	rddreg [dreg:$0x1];
	p0 =	sne.s32 s2, $0x0  }
0xbe: {  	s3 =	rddreg [dreg:$0x2];
	[bflag:$0x3] =	sbarrier.arrive $0xFFFF;
	s2 =	simm.s32 @!p0 $0x1C02  }
0xbf: {  	[timem:s3], [sflag:s2] =	dma.local @!p0 [hbm:s0], s1  }
0xc0: {  	s0 =	simm.s32 @!p0 $0x2  }
0xc1: {  	_ =	swait.ge @!p0 [sflag:s0], s1  }
0xc2: {  	s1 =	ssub.s32 @!p0 $0x0, s1;
	[sflag:s0] =	ssyncset.done @!p0 $0x0  }
0xc3: {  	[sflag:s0] =	ssyncadd.s32 @!p0 s1  }
0xc4: {  	[bflag:$0x3] =	sbarrier.arrive $0xFFFF  }
0xc5: {  	_ =	shalt  }

</sc_bundles>
